<compile_context>
chip_gen: v7x
topology: tpu7x:2x2x1
jax: 0.10.2.dev20260603
libtpu: 0.0.44.dev20260713+nightly
codegen_flags: <defaults>
</compile_context>

<pallas_src>
import functools
import math

import jax
import jax.numpy as jnp
import numpy as np
from jax import lax
from jax.experimental import pallas as pl
from jax.experimental.pallas import tpu as pltpu
from jax.experimental.pallas import tpu_sc as plsc

EMB = 64
HALF = 32
VOCAB = 100000
MAX_LEN = 5000
B, S = 4096, 200
N = B * S
N2 = 2 * N
NC, NS = 2, 16
NW = NC * NS
PER_W = N2 // NW
CHUNK = 1024
ROUNDS = PER_W // CHUNK
SUB = 128
NSUB = CHUNK // SUB


def _build_pe_np():
    position = np.arange(0, MAX_LEN, dtype=np.float32)[:, None]
    div_term = np.exp(
        np.arange(0, HALF, 2, dtype=np.float32) * -(math.log(10000.0) / HALF))
    pe = np.zeros((MAX_LEN, HALF), dtype=np.float32)
    pe[:, 0::2] = np.sin(position * div_term)
    pe[:, 1::2] = np.cos(position * div_term)
    return pe


_PE = _build_pe_np()


def _scale_body(x_ref, o_ref):
    o_ref[...] = x_ref[...] * 8.0


def _scale_table(emb_table):
    flat = emb_table.reshape(VOCAB * EMB // 128, 128)
    rows = flat.shape[0]
    blk = 1000
    out = pl.pallas_call(
        _scale_body,
        out_shape=jax.ShapeDtypeStruct((rows, 128), jnp.float32),
        grid=(rows // blk,),
        in_specs=[pl.BlockSpec((blk, 128), lambda i: (i, 0))],
        out_specs=pl.BlockSpec((blk, 128), lambda i: (i, 0)),
    )(flat)
    return out.reshape(2 * VOCAB, HALF)


_mesh = plsc.VectorSubcoreMesh(core_axis_name="c", subcore_axis_name="s")


@functools.partial(
    pl.kernel,
    mesh=_mesh,
    out_type=jax.ShapeDtypeStruct((N2, HALF), jnp.float32),
    scratch_types=[
        pltpu.VMEM((NSUB, SUB), jnp.int32),
        pltpu.VMEM((NSUB, SUB), jnp.int32),
        pltpu.VMEM((CHUNK, HALF), jnp.float32),
        pltpu.SemaphoreType.DMA,
    ],
    compiler_params=pltpu.CompilerParams(use_tc_tiling_on_sc=False),
)
def _sc_gather(emb32_hbm, pe_hbm, idxe_hbm, idxp_hbm, out_hbm,
               idxe_v, idxp_v, rows_v, sem):
    wid = lax.axis_index("s") * NC + lax.axis_index("c")
    wbase = wid * PER_W

    def round_body(r, carry):
        base = pl.multiple_of(wbase + r * CHUNK, CHUNK)
        irow = pl.multiple_of(base // SUB, 8)
        pltpu.sync_copy(idxe_hbm.at[pl.ds(irow, NSUB)], idxe_v)
        pltpu.sync_copy(idxp_hbm.at[pl.ds(irow, NSUB)], idxp_v)
        handles = []
        for j in range(NSUB):
            handles.append(pltpu.async_copy(
                emb32_hbm.at[idxe_v.at[j]],
                rows_v.at[pl.ds(j * SUB, SUB)],
                sem,
            ))
        for h in handles:
            h.wait()
        handles = []
        for j in range(NSUB):
            handles.append(pltpu.async_copy(
                pe_hbm.at[idxp_v.at[j]],
                rows_v.at[pl.ds(j * SUB, SUB)],
                sem,
                add=True,
            ))
        for h in handles:
            h.wait()
        pltpu.sync_copy(rows_v, out_hbm.at[pl.ds(base, CHUNK)])
        return carry

    lax.fori_loop(0, ROUNDS, round_body, 0)


def kernel(x, inner_position_index, outer_position_index, emb_table):
    x = x.reshape(-1).astype(jnp.int32)
    inner = inner_position_index.reshape(-1).astype(jnp.int32)
    outer = outer_position_index.reshape(-1).astype(jnp.int32)

    emb32 = _scale_table(emb_table)
    pe = jnp.asarray(_PE)

    x2 = 2 * x
    idx_emb = jnp.stack([x2, x2 + 1], axis=-1).reshape(N2 // SUB, SUB)
    idx_pe = jnp.stack([inner, outer], axis=-1).reshape(N2 // SUB, SUB)

    out32 = _sc_gather(emb32, pe, idx_emb, idx_pe)
    return out32.reshape(B, S, EMB)

# --- scband reference (transcript-rebuilt; emitter-appended) ---
"""Pipeline reference for scband-embeddings-61847529062424 (READ-ONLY COPY).

The authoritative reference and input builder live on the scoring server;
editing this copy changes nothing except your own understanding.
"""

import jax, jax.numpy as jnp
import numpy as np
import math

EMB_SIZE = 64
VOCAB_SIZE = 100000
MAX_LEN = 5000
POS_EMB_SIZE = EMB_SIZE // 2  # linear_combination=False


def _build_pe(max_len, d):
    position = np.arange(0, max_len, dtype=np.float32)[:, None]
    div_term = np.exp(np.arange(0, d, 2, dtype=np.float32) * -(math.log(10000.0) / d))
    pe = np.zeros((max_len, d), dtype=np.float32)
    pe[:, 0::2] = np.sin(position * div_term)
    pe[:, 1::2] = np.cos(position * div_term)
    return jnp.asarray(pe)


def setup_inputs(seed: int = 0) -> dict:
    key = jax.random.key(seed)
    k1, k2, k3, k4 = jax.random.split(key, 4)
    x = jax.random.randint(k1, (4096, 200), 0, VOCAB_SIZE, dtype=jnp.int64 if jax.config.jax_enable_x64 else jnp.int32)
    inner_position_index = jax.random.randint(k2, (4096, 200), 0, MAX_LEN)
    outer_position_index = jax.random.randint(k3, (4096, 200), 0, MAX_LEN)
    emb_table = jax.random.normal(k4, (VOCAB_SIZE, EMB_SIZE), dtype=jnp.float32)
    return {
        "x": x,
        "inner_position_index": inner_position_index,
        "outer_position_index": outer_position_index,
        "emb_table": emb_table,
    }


def reference(x, inner_position_index, outer_position_index, emb_table):
    pe = _build_pe(MAX_LEN, POS_EMB_SIZE)  # [max_len, pos_emb_size], constant buffer
    emb = jnp.take(emb_table, x, axis=0) * math.sqrt(EMB_SIZE)  # [B, S, emb]
    inner_pe = jnp.take(pe, inner_position_index, axis=0)  # [B, S, pos_emb]
    outer_pe = jnp.take(pe, outer_position_index, axis=0)  # [B, S, pos_emb]
    position_encoding = jnp.concatenate([inner_pe, outer_pe], axis=-1)  # [B, S, emb]
    out = emb + position_encoding
    # dropout p=0.0 -> identity
    return out

if __name__ == "__main__":
    import jax
    _d = setup_inputs()
    print(jax.jit(kernel)(*tuple(_d.values())))

</pallas_src>

<mosaic_0001>
#map = affine_map<(d0, d1) -> (0, 0)>
module attributes {stable_mosaic.version = 14 : i64} {
  func.func @_sc_gather(%arg0: i32, %arg1: i32, %arg2: memref<200000x32xf32, #tpu.memory_space<hbm>>, %arg3: memref<5000x32xf32, #tpu.memory_space<hbm>>, %arg4: memref<12800x128xi32, #tpu.memory_space<hbm>>, %arg5: memref<12800x128xi32, #tpu.memory_space<hbm>>, %arg6: memref<1638400x32xf32, #tpu.memory_space<hbm>>, %arg7: memref<8x128xi32, #tpu.memory_space<vmem>>, %arg8: memref<8x128xi32, #tpu.memory_space<vmem>>, %arg9: memref<1024x32xf32, #tpu.memory_space<vmem>>, %arg10: memref<!tpu.dma_semaphore, #tpu.memory_space<semaphore_mem>>) attributes {dimension_semantics = [#tpu.dimension_semantics<core_parallel>, #tpu.dimension_semantics<subcore_parallel>], iteration_bounds = array<i64: 2, 16>, scalar_prefetch = 0 : i64, scratch_operands = 4 : i64, tpu.core_type = #tpu.core_type<sc_vector_subcore>, window_params = [{transform_indices = #map}, {transform_indices = #map}, {transform_indices = #map}, {transform_indices = #map}, {transform_indices = #map}]} {
    %mul3A = arith.constant 2 : i32
    %mul3A_0 = arith.muli %arg1, %mul3A : i32
    %add3A = arith.addi %mul3A_0, %arg0 : i32
    %mul3A_1 = arith.constant 51200 : i32
    %mul3A_2 = arith.muli %add3A, %mul3A_1 : i32
    %scan3A = arith.constant 0 : i32
    %scan3A_3 = arith.constant 0 : i32
    %scan3A_4 = arith.constant 50 : i32
    %scan3A_5 = arith.addi %scan3A_3, %scan3A_4 : i32
    %scan3A_6 = arith.constant 1 : i32
    scf.for %scan3A_8 = %scan3A_3 to %scan3A_5 step %scan3A_6  : i32 {
      %mul3A_9 = arith.constant 1024 : i32
      %mul3A_10 = arith.muli %scan3A_8, %mul3A_9 : i32
      %add3A_11 = arith.addi %mul3A_2, %mul3A_10 : i32
      %multiple_of3A = tpu.assume_multiple %add3A_11, 1024 : i32
      %jit3A = arith.constant 128 : i32
      %div3A = arith.divsi %multiple_of3A, %jit3A : i32
      %sign3A = arith.constant 0 : i32
      %sign3A_12 = arith.cmpi sgt, %multiple_of3A, %sign3A : i32
      %sign3A_13 = arith.extui %sign3A_12 : i1 to i32
      %sign3A_14 = arith.constant 0 : i32
      %sign3A_15 = arith.cmpi slt, %multiple_of3A, %sign3A_14 : i32
      %sign3A_16 = arith.extui %sign3A_15 : i1 to i32
      %sign3A_17 = arith.subi %sign3A_13, %sign3A_16 : i32
      %sign3A_18 = arith.constant 0 : i32
      %sign3A_19 = arith.cmpi sgt, %jit3A, %sign3A_18 : i32
      %sign3A_20 = arith.extui %sign3A_19 : i1 to i32
      %sign3A_21 = arith.constant 0 : i32
      %sign3A_22 = arith.cmpi slt, %jit3A, %sign3A_21 : i32
      %sign3A_23 = arith.extui %sign3A_22 : i1 to i32
      %sign3A_24 = arith.subi %sign3A_20, %sign3A_23 : i32
      %ne3A = arith.cmpi ne, %sign3A_17, %sign3A_24 : i32
      %rem3A = arith.remsi %multiple_of3A, %jit3A : i32
      %ne3A_25 = arith.constant 0 : i32
      %ne3A_26 = arith.cmpi ne, %rem3A, %ne3A_25 : i32
      %and3A = arith.andi %ne3A, %ne3A_26 : i1
      %sub3A = arith.constant 1 : i32
      %sub3A_27 = arith.subi %div3A, %sub3A : i32
      %select_n3A = arith.select %and3A, %sub3A_27, %div3A : i32
      %multiple_of3A_28 = tpu.assume_multiple %select_n3A, 8 : i32
      "tpu.region"() ({
        %run_scoped3A = tpu.sem_alloc : memref<!tpu.dma_semaphore, #tpu.memory_space<semaphore_mem>>
        %dma_start3A_347 = arith.constant 0 : i32
        %dma_start3A_348 = tpu.memref_slice %arg4[%multiple_of3A_28, %dma_start3A_347] : memref<12800x128xi32, #tpu.memory_space<hbm>> -> memref<8x128xi32, #tpu.memory_space<hbm>>
        %dma_start3A_349 = arith.constant 0 : i32
        %dma_start3A_350 = tpu.memref_slice %arg4[%multiple_of3A_28, %dma_start3A_349] : memref<12800x128xi32, #tpu.memory_space<hbm>> -> memref<8x128xi32, #tpu.memory_space<hbm>>
        tpu.enqueue_dma source(%dma_start3A_350 : memref<8x128xi32, #tpu.memory_space<hbm>>) target(%arg7 : memref<8x128xi32, #tpu.memory_space<vmem>>) target_semaphore(%run_scoped3A : memref<!tpu.dma_semaphore, #tpu.memory_space<semaphore_mem>>)
        %dma_wait3A_351 = arith.constant 0 : i32
        %dma_wait3A_352 = tpu.memref_slice %arg4[%multiple_of3A_28, %dma_wait3A_351] : memref<12800x128xi32, #tpu.memory_space<hbm>> -> memref<8x128xi32, #tpu.memory_space<hbm>>
        %dma_wait3A_353 = arith.constant 0 : i32
        %dma_wait3A_354 = tpu.memref_slice %arg4[%multiple_of3A_28, %dma_wait3A_353] : memref<12800x128xi32, #tpu.memory_space<hbm>> -> memref<8x128xi32, #tpu.memory_space<hbm>>
        tpu.wait_dma2 semaphore(%run_scoped3A : memref<!tpu.dma_semaphore, #tpu.memory_space<semaphore_mem>>) src(%dma_wait3A_354 : memref<8x128xi32, #tpu.memory_space<hbm>>) dst(%arg7 : memref<8x128xi32, #tpu.memory_space<vmem>>)
        tpu.yield
      }) : () -> ()
      "tpu.region"() ({
        %run_scoped3A = tpu.sem_alloc : memref<!tpu.dma_semaphore, #tpu.memory_space<semaphore_mem>>
        %dma_start3A_347 = arith.constant 0 : i32
        %dma_start3A_348 = tpu.memref_slice %arg5[%multiple_of3A_28, %dma_start3A_347] : memref<12800x128xi32, #tpu.memory_space<hbm>> -> memref<8x128xi32, #tpu.memory_space<hbm>>
        %dma_start3A_349 = arith.constant 0 : i32
        %dma_start3A_350 = tpu.memref_slice %arg5[%multiple_of3A_28, %dma_start3A_349] : memref<12800x128xi32, #tpu.memory_space<hbm>> -> memref<8x128xi32, #tpu.memory_space<hbm>>
        tpu.enqueue_dma source(%dma_start3A_350 : memref<8x128xi32, #tpu.memory_space<hbm>>) target(%arg8 : memref<8x128xi32, #tpu.memory_space<vmem>>) target_semaphore(%run_scoped3A : memref<!tpu.dma_semaphore, #tpu.memory_space<semaphore_mem>>)
        %dma_wait3A_351 = arith.constant 0 : i32
        %dma_wait3A_352 = tpu.memref_slice %arg5[%multiple_of3A_28, %dma_wait3A_351] : memref<12800x128xi32, #tpu.memory_space<hbm>> -> memref<8x128xi32, #tpu.memory_space<hbm>>
        %dma_wait3A_353 = arith.constant 0 : i32
        %dma_wait3A_354 = tpu.memref_slice %arg5[%multiple_of3A_28, %dma_wait3A_353] : memref<12800x128xi32, #tpu.memory_space<hbm>> -> memref<8x128xi32, #tpu.memory_space<hbm>>
        tpu.wait_dma2 semaphore(%run_scoped3A : memref<!tpu.dma_semaphore, #tpu.memory_space<semaphore_mem>>) src(%dma_wait3A_354 : memref<8x128xi32, #tpu.memory_space<hbm>>) dst(%arg8 : memref<8x128xi32, #tpu.memory_space<vmem>>)
        tpu.yield
      }) : () -> ()
      %dma_start3A = arith.constant 0 : i32
      %dma_start3A_29 = arith.constant 0 : i32
      %dma_start3A_30 = arith.constant 0 : i32
      %dma_start3A_31 = tpu.memref_slice %arg9[%dma_start3A_29, %dma_start3A_30] : memref<1024x32xf32, #tpu.memory_space<vmem>> -> memref<128x32xf32, #tpu.memory_space<vmem>>
      %dma_start3A_32 = arith.constant 0 : i32
      %dma_start3A_33 = tpu.memref_slice %arg7[%dma_start3A, %dma_start3A_32] : memref<8x128xi32, #tpu.memory_space<vmem>> -> memref<1x128xi32, #tpu.memory_space<vmem>>
      %dma_start3A_34 = tpu.memref_squeeze %dma_start3A_33 : memref<1x128xi32, #tpu.memory_space<vmem>> -> memref<128xi32, #tpu.memory_space<vmem>>
      %dma_start3A_35 = arith.constant 0 : i32
      %dma_start3A_36 = arith.constant 0 : i32
      %dma_start3A_37 = tpu.memref_slice %arg2[%dma_start3A_35, %dma_start3A_36] : memref<200000x32xf32, #tpu.memory_space<hbm>> -> memref<200000x32xf32, #tpu.memory_space<hbm>>
      tpu.enqueue_indirect_dma source(%dma_start3A_37 : memref<200000x32xf32, #tpu.memory_space<hbm>>) target(%dma_start3A_31 : memref<128x32xf32, #tpu.memory_space<vmem>>) offsets(%dma_start3A_34 : memref<128xi32, #tpu.memory_space<vmem>>) semaphore(%arg10 : memref<!tpu.dma_semaphore, #tpu.memory_space<semaphore_mem>>)
      %dma_start3A_38 = arith.constant 1 : i32
      %dma_start3A_39 = arith.constant 128 : i32
      %dma_start3A_40 = arith.constant 0 : i32
      %dma_start3A_41 = tpu.memref_slice %arg9[%dma_start3A_39, %dma_start3A_40] : memref<1024x32xf32, #tpu.memory_space<vmem>> -> memref<128x32xf32, #tpu.memory_space<vmem>>
      %dma_start3A_42 = arith.constant 0 : i32
      %dma_start3A_43 = tpu.memref_slice %arg7[%dma_start3A_38, %dma_start3A_42] : memref<8x128xi32, #tpu.memory_space<vmem>> -> memref<1x128xi32, #tpu.memory_space<vmem>>
      %dma_start3A_44 = tpu.memref_squeeze %dma_start3A_43 : memref<1x128xi32, #tpu.memory_space<vmem>> -> memref<128xi32, #tpu.memory_space<vmem>>
      %dma_start3A_45 = arith.constant 0 : i32
      %dma_start3A_46 = arith.constant 0 : i32
      %dma_start3A_47 = tpu.memref_slice %arg2[%dma_start3A_45, %dma_start3A_46] : memref<200000x32xf32, #tpu.memory_space<hbm>> -> memref<200000x32xf32, #tpu.memory_space<hbm>>
      tpu.enqueue_indirect_dma source(%dma_start3A_47 : memref<200000x32xf32, #tpu.memory_space<hbm>>) target(%dma_start3A_41 : memref<128x32xf32, #tpu.memory_space<vmem>>) offsets(%dma_start3A_44 : memref<128xi32, #tpu.memory_space<vmem>>) semaphore(%arg10 : memref<!tpu.dma_semaphore, #tpu.memory_space<semaphore_mem>>)
      %dma_start3A_48 = arith.constant 2 : i32
      %dma_start3A_49 = arith.constant 256 : i32
      %dma_start3A_50 = arith.constant 0 : i32
      %dma_start3A_51 = tpu.memref_slice %arg9[%dma_start3A_49, %dma_start3A_50] : memref<1024x32xf32, #tpu.memory_space<vmem>> -> memref<128x32xf32, #tpu.memory_space<vmem>>
      %dma_start3A_52 = arith.constant 0 : i32
      %dma_start3A_53 = tpu.memref_slice %arg7[%dma_start3A_48, %dma_start3A_52] : memref<8x128xi32, #tpu.memory_space<vmem>> -> memref<1x128xi32, #tpu.memory_space<vmem>>
      %dma_start3A_54 = tpu.memref_squeeze %dma_start3A_53 : memref<1x128xi32, #tpu.memory_space<vmem>> -> memref<128xi32, #tpu.memory_space<vmem>>
      %dma_start3A_55 = arith.constant 0 : i32
      %dma_start3A_56 = arith.constant 0 : i32
      %dma_start3A_57 = tpu.memref_slice %arg2[%dma_start3A_55, %dma_start3A_56] : memref<200000x32xf32, #tpu.memory_space<hbm>> -> memref<200000x32xf32, #tpu.memory_space<hbm>>
      tpu.enqueue_indirect_dma source(%dma_start3A_57 : memref<200000x32xf32, #tpu.memory_space<hbm>>) target(%dma_start3A_51 : memref<128x32xf32, #tpu.memory_space<vmem>>) offsets(%dma_start3A_54 : memref<128xi32, #tpu.memory_space<vmem>>) semaphore(%arg10 : memref<!tpu.dma_semaphore, #tpu.memory_space<semaphore_mem>>)
      %dma_start3A_58 = arith.constant 3 : i32
      %dma_start3A_59 = arith.constant 384 : i32
      %dma_start3A_60 = arith.constant 0 : i32
      %dma_start3A_61 = tpu.memref_slice %arg9[%dma_start3A_59, %dma_start3A_60] : memref<1024x32xf32, #tpu.memory_space<vmem>> -> memref<128x32xf32, #tpu.memory_space<vmem>>
      %dma_start3A_62 = arith.constant 0 : i32
      %dma_start3A_63 = tpu.memref_slice %arg7[%dma_start3A_58, %dma_start3A_62] : memref<8x128xi32, #tpu.memory_space<vmem>> -> memref<1x128xi32, #tpu.memory_space<vmem>>
      %dma_start3A_64 = tpu.memref_squeeze %dma_start3A_63 : memref<1x128xi32, #tpu.memory_space<vmem>> -> memref<128xi32, #tpu.memory_space<vmem>>
      %dma_start3A_65 = arith.constant 0 : i32
      %dma_start3A_66 = arith.constant 0 : i32
      %dma_start3A_67 = tpu.memref_slice %arg2[%dma_start3A_65, %dma_start3A_66] : memref<200000x32xf32, #tpu.memory_space<hbm>> -> memref<200000x32xf32, #tpu.memory_space<hbm>>
      tpu.enqueue_indirect_dma source(%dma_start3A_67 : memref<200000x32xf32, #tpu.memory_space<hbm>>) target(%dma_start3A_61 : memref<128x32xf32, #tpu.memory_space<vmem>>) offsets(%dma_start3A_64 : memref<128xi32, #tpu.memory_space<vmem>>) semaphore(%arg10 : memref<!tpu.dma_semaphore, #tpu.memory_space<semaphore_mem>>)
      %dma_start3A_68 = arith.constant 4 : i32
      %dma_start3A_69 = arith.constant 512 : i32
      %dma_start3A_70 = arith.constant 0 : i32
      %dma_start3A_71 = tpu.memref_slice %arg9[%dma_start3A_69, %dma_start3A_70] : memref<1024x32xf32, #tpu.memory_space<vmem>> -> memref<128x32xf32, #tpu.memory_space<vmem>>
      %dma_start3A_72 = arith.constant 0 : i32
      %dma_start3A_73 = tpu.memref_slice %arg7[%dma_start3A_68, %dma_start3A_72] : memref<8x128xi32, #tpu.memory_space<vmem>> -> memref<1x128xi32, #tpu.memory_space<vmem>>
      %dma_start3A_74 = tpu.memref_squeeze %dma_start3A_73 : memref<1x128xi32, #tpu.memory_space<vmem>> -> memref<128xi32, #tpu.memory_space<vmem>>
      %dma_start3A_75 = arith.constant 0 : i32
      %dma_start3A_76 = arith.constant 0 : i32
      %dma_start3A_77 = tpu.memref_slice %arg2[%dma_start3A_75, %dma_start3A_76] : memref<200000x32xf32, #tpu.memory_space<hbm>> -> memref<200000x32xf32, #tpu.memory_space<hbm>>
      tpu.enqueue_indirect_dma source(%dma_start3A_77 : memref<200000x32xf32, #tpu.memory_space<hbm>>) target(%dma_start3A_71 : memref<128x32xf32, #tpu.memory_space<vmem>>) offsets(%dma_start3A_74 : memref<128xi32, #tpu.memory_space<vmem>>) semaphore(%arg10 : memref<!tpu.dma_semaphore, #tpu.memory_space<semaphore_mem>>)
      %dma_start3A_78 = arith.constant 5 : i32
      %dma_start3A_79 = arith.constant 640 : i32
      %dma_start3A_80 = arith.constant 0 : i32
      %dma_start3A_81 = tpu.memref_slice %arg9[%dma_start3A_79, %dma_start3A_80] : memref<1024x32xf32, #tpu.memory_space<vmem>> -> memref<128x32xf32, #tpu.memory_space<vmem>>
      %dma_start3A_82 = arith.constant 0 : i32
      %dma_start3A_83 = tpu.memref_slice %arg7[%dma_start3A_78, %dma_start3A_82] : memref<8x128xi32, #tpu.memory_space<vmem>> -> memref<1x128xi32, #tpu.memory_space<vmem>>
      %dma_start3A_84 = tpu.memref_squeeze %dma_start3A_83 : memref<1x128xi32, #tpu.memory_space<vmem>> -> memref<128xi32, #tpu.memory_space<vmem>>
      %dma_start3A_85 = arith.constant 0 : i32
      %dma_start3A_86 = arith.constant 0 : i32
      %dma_start3A_87 = tpu.memref_slice %arg2[%dma_start3A_85, %dma_start3A_86] : memref<200000x32xf32, #tpu.memory_space<hbm>> -> memref<200000x32xf32, #tpu.memory_space<hbm>>
      tpu.enqueue_indirect_dma source(%dma_start3A_87 : memref<200000x32xf32, #tpu.memory_space<hbm>>) target(%dma_start3A_81 : memref<128x32xf32, #tpu.memory_space<vmem>>) offsets(%dma_start3A_84 : memref<128xi32, #tpu.memory_space<vmem>>) semaphore(%arg10 : memref<!tpu.dma_semaphore, #tpu.memory_space<semaphore_mem>>)
      %dma_start3A_88 = arith.constant 6 : i32
      %dma_start3A_89 = arith.constant 768 : i32
      %dma_start3A_90 = arith.constant 0 : i32
      %dma_start3A_91 = tpu.memref_slice %arg9[%dma_start3A_89, %dma_start3A_90] : memref<1024x32xf32, #tpu.memory_space<vmem>> -> memref<128x32xf32, #tpu.memory_space<vmem>>
      %dma_start3A_92 = arith.constant 0 : i32
      %dma_start3A_93 = tpu.memref_slice %arg7[%dma_start3A_88, %dma_start3A_92] : memref<8x128xi32, #tpu.memory_space<vmem>> -> memref<1x128xi32, #tpu.memory_space<vmem>>
      %dma_start3A_94 = tpu.memref_squeeze %dma_start3A_93 : memref<1x128xi32, #tpu.memory_space<vmem>> -> memref<128xi32, #tpu.memory_space<vmem>>
      %dma_start3A_95 = arith.constant 0 : i32
      %dma_start3A_96 = arith.constant 0 : i32
      %dma_start3A_97 = tpu.memref_slice %arg2[%dma_start3A_95, %dma_start3A_96] : memref<200000x32xf32, #tpu.memory_space<hbm>> -> memref<200000x32xf32, #tpu.memory_space<hbm>>
      tpu.enqueue_indirect_dma source(%dma_start3A_97 : memref<200000x32xf32, #tpu.memory_space<hbm>>) target(%dma_start3A_91 : memref<128x32xf32, #tpu.memory_space<vmem>>) offsets(%dma_start3A_94 : memref<128xi32, #tpu.memory_space<vmem>>) semaphore(%arg10 : memref<!tpu.dma_semaphore, #tpu.memory_space<semaphore_mem>>)
      %dma_start3A_98 = arith.constant 7 : i32
      %dma_start3A_99 = arith.constant 896 : i32
      %dma_start3A_100 = arith.constant 0 : i32
      %dma_start3A_101 = tpu.memref_slice %arg9[%dma_start3A_99, %dma_start3A_100] : memref<1024x32xf32, #tpu.memory_space<vmem>> -> memref<128x32xf32, #tpu.memory_space<vmem>>
      %dma_start3A_102 = arith.constant 0 : i32
      %dma_start3A_103 = tpu.memref_slice %arg7[%dma_start3A_98, %dma_start3A_102] : memref<8x128xi32, #tpu.memory_space<vmem>> -> memref<1x128xi32, #tpu.memory_space<vmem>>
      %dma_start3A_104 = tpu.memref_squeeze %dma_start3A_103 : memref<1x128xi32, #tpu.memory_space<vmem>> -> memref<128xi32, #tpu.memory_space<vmem>>
      %dma_start3A_105 = arith.constant 0 : i32
      %dma_start3A_106 = arith.constant 0 : i32
      %dma_start3A_107 = tpu.memref_slice %arg2[%dma_start3A_105, %dma_start3A_106] : memref<200000x32xf32, #tpu.memory_space<hbm>> -> memref<200000x32xf32, #tpu.memory_space<hbm>>
      tpu.enqueue_indirect_dma source(%dma_start3A_107 : memref<200000x32xf32, #tpu.memory_space<hbm>>) target(%dma_start3A_101 : memref<128x32xf32, #tpu.memory_space<vmem>>) offsets(%dma_start3A_104 : memref<128xi32, #tpu.memory_space<vmem>>) semaphore(%arg10 : memref<!tpu.dma_semaphore, #tpu.memory_space<semaphore_mem>>)
      %dma_wait3A = arith.constant 0 : i32
      %dma_wait3A_108 = arith.constant 0 : i32
      %dma_wait3A_109 = arith.constant 0 : i32
      %dma_wait3A_110 = tpu.memref_slice %arg9[%dma_wait3A_108, %dma_wait3A_109] : memref<1024x32xf32, #tpu.memory_space<vmem>> -> memref<128x32xf32, #tpu.memory_space<vmem>>
      %dma_wait3A_111 = arith.constant 0 : i32
      %dma_wait3A_112 = tpu.memref_slice %arg7[%dma_wait3A, %dma_wait3A_111] : memref<8x128xi32, #tpu.memory_space<vmem>> -> memref<1x128xi32, #tpu.memory_space<vmem>>
      %dma_wait3A_113 = tpu.memref_squeeze %dma_wait3A_112 : memref<1x128xi32, #tpu.memory_space<vmem>> -> memref<128xi32, #tpu.memory_space<vmem>>
      %dma_wait3A_114 = arith.constant 0 : i32
      %dma_wait3A_115 = arith.constant 0 : i32
      %dma_wait3A_116 = tpu.memref_slice %arg2[%dma_wait3A_114, %dma_wait3A_115] : memref<200000x32xf32, #tpu.memory_space<hbm>> -> memref<200000x32xf32, #tpu.memory_space<hbm>>
      tpu.wait_indirect_dma semaphore(%arg10 : memref<!tpu.dma_semaphore, #tpu.memory_space<semaphore_mem>>) src(%dma_wait3A_116 : memref<200000x32xf32, #tpu.memory_space<hbm>>) dst(%dma_wait3A_110 : memref<128x32xf32, #tpu.memory_space<vmem>>)
      %dma_wait3A_117 = arith.constant 1 : i32
      %dma_wait3A_118 = arith.constant 128 : i32
      %dma_wait3A_119 = arith.constant 0 : i32
      %dma_wait3A_120 = tpu.memref_slice %arg9[%dma_wait3A_118, %dma_wait3A_119] : memref<1024x32xf32, #tpu.memory_space<vmem>> -> memref<128x32xf32, #tpu.memory_space<vmem>>
      %dma_wait3A_121 = arith.constant 0 : i32
      %dma_wait3A_122 = tpu.memref_slice %arg7[%dma_wait3A_117, %dma_wait3A_121] : memref<8x128xi32, #tpu.memory_space<vmem>> -> memref<1x128xi32, #tpu.memory_space<vmem>>
      %dma_wait3A_123 = tpu.memref_squeeze %dma_wait3A_122 : memref<1x128xi32, #tpu.memory_space<vmem>> -> memref<128xi32, #tpu.memory_space<vmem>>
      %dma_wait3A_124 = arith.constant 0 : i32
      %dma_wait3A_125 = arith.constant 0 : i32
      %dma_wait3A_126 = tpu.memref_slice %arg2[%dma_wait3A_124, %dma_wait3A_125] : memref<200000x32xf32, #tpu.memory_space<hbm>> -> memref<200000x32xf32, #tpu.memory_space<hbm>>
      tpu.wait_indirect_dma semaphore(%arg10 : memref<!tpu.dma_semaphore, #tpu.memory_space<semaphore_mem>>) src(%dma_wait3A_126 : memref<200000x32xf32, #tpu.memory_space<hbm>>) dst(%dma_wait3A_120 : memref<128x32xf32, #tpu.memory_space<vmem>>)
      %dma_wait3A_127 = arith.constant 2 : i32
      %dma_wait3A_128 = arith.constant 256 : i32
      %dma_wait3A_129 = arith.constant 0 : i32
      %dma_wait3A_130 = tpu.memref_slice %arg9[%dma_wait3A_128, %dma_wait3A_129] : memref<1024x32xf32, #tpu.memory_space<vmem>> -> memref<128x32xf32, #tpu.memory_space<vmem>>
      %dma_wait3A_131 = arith.constant 0 : i32
      %dma_wait3A_132 = tpu.memref_slice %arg7[%dma_wait3A_127, %dma_wait3A_131] : memref<8x128xi32, #tpu.memory_space<vmem>> -> memref<1x128xi32, #tpu.memory_space<vmem>>
      %dma_wait3A_133 = tpu.memref_squeeze %dma_wait3A_132 : memref<1x128xi32, #tpu.memory_space<vmem>> -> memref<128xi32, #tpu.memory_space<vmem>>
      %dma_wait3A_134 = arith.constant 0 : i32
      %dma_wait3A_135 = arith.constant 0 : i32
      %dma_wait3A_136 = tpu.memref_slice %arg2[%dma_wait3A_134, %dma_wait3A_135] : memref<200000x32xf32, #tpu.memory_space<hbm>> -> memref<200000x32xf32, #tpu.memory_space<hbm>>
      tpu.wait_indirect_dma semaphore(%arg10 : memref<!tpu.dma_semaphore, #tpu.memory_space<semaphore_mem>>) src(%dma_wait3A_136 : memref<200000x32xf32, #tpu.memory_space<hbm>>) dst(%dma_wait3A_130 : memref<128x32xf32, #tpu.memory_space<vmem>>)
      %dma_wait3A_137 = arith.constant 3 : i32
      %dma_wait3A_138 = arith.constant 384 : i32
      %dma_wait3A_139 = arith.constant 0 : i32
      %dma_wait3A_140 = tpu.memref_slice %arg9[%dma_wait3A_138, %dma_wait3A_139] : memref<1024x32xf32, #tpu.memory_space<vmem>> -> memref<128x32xf32, #tpu.memory_space<vmem>>
      %dma_wait3A_141 = arith.constant 0 : i32
      %dma_wait3A_142 = tpu.memref_slice %arg7[%dma_wait3A_137, %dma_wait3A_141] : memref<8x128xi32, #tpu.memory_space<vmem>> -> memref<1x128xi32, #tpu.memory_space<vmem>>
      %dma_wait3A_143 = tpu.memref_squeeze %dma_wait3A_142 : memref<1x128xi32, #tpu.memory_space<vmem>> -> memref<128xi32, #tpu.memory_space<vmem>>
      %dma_wait3A_144 = arith.constant 0 : i32
      %dma_wait3A_145 = arith.constant 0 : i32
      %dma_wait3A_146 = tpu.memref_slice %arg2[%dma_wait3A_144, %dma_wait3A_145] : memref<200000x32xf32, #tpu.memory_space<hbm>> -> memref<200000x32xf32, #tpu.memory_space<hbm>>
      tpu.wait_indirect_dma semaphore(%arg10 : memref<!tpu.dma_semaphore, #tpu.memory_space<semaphore_mem>>) src(%dma_wait3A_146 : memref<200000x32xf32, #tpu.memory_space<hbm>>) dst(%dma_wait3A_140 : memref<128x32xf32, #tpu.memory_space<vmem>>)
      %dma_wait3A_147 = arith.constant 4 : i32
      %dma_wait3A_148 = arith.constant 512 : i32
      %dma_wait3A_149 = arith.constant 0 : i32
      %dma_wait3A_150 = tpu.memref_slice %arg9[%dma_wait3A_148, %dma_wait3A_149] : memref<1024x32xf32, #tpu.memory_space<vmem>> -> memref<128x32xf32, #tpu.memory_space<vmem>>
      %dma_wait3A_151 = arith.constant 0 : i32
      %dma_wait3A_152 = tpu.memref_slice %arg7[%dma_wait3A_147, %dma_wait3A_151] : memref<8x128xi32, #tpu.memory_space<vmem>> -> memref<1x128xi32, #tpu.memory_space<vmem>>
      %dma_wait3A_153 = tpu.memref_squeeze %dma_wait3A_152 : memref<1x128xi32, #tpu.memory_space<vmem>> -> memref<128xi32, #tpu.memory_space<vmem>>
      %dma_wait3A_154 = arith.constant 0 : i32
      %dma_wait3A_155 = arith.constant 0 : i32
      %dma_wait3A_156 = tpu.memref_slice %arg2[%dma_wait3A_154, %dma_wait3A_155] : memref<200000x32xf32, #tpu.memory_space<hbm>> -> memref<200000x32xf32, #tpu.memory_space<hbm>>
      tpu.wait_indirect_dma semaphore(%arg10 : memref<!tpu.dma_semaphore, #tpu.memory_space<semaphore_mem>>) src(%dma_wait3A_156 : memref<200000x32xf32, #tpu.memory_space<hbm>>) dst(%dma_wait3A_150 : memref<128x32xf32, #tpu.memory_space<vmem>>)
      %dma_wait3A_157 = arith.constant 5 : i32
      %dma_wait3A_158 = arith.constant 640 : i32
      %dma_wait3A_159 = arith.constant 0 : i32
      %dma_wait3A_160 = tpu.memref_slice %arg9[%dma_wait3A_158, %dma_wait3A_159] : memref<1024x32xf32, #tpu.memory_space<vmem>> -> memref<128x32xf32, #tpu.memory_space<vmem>>
      %dma_wait3A_161 = arith.constant 0 : i32
      %dma_wait3A_162 = tpu.memref_slice %arg7[%dma_wait3A_157, %dma_wait3A_161] : memref<8x128xi32, #tpu.memory_space<vmem>> -> memref<1x128xi32, #tpu.memory_space<vmem>>
      %dma_wait3A_163 = tpu.memref_squeeze %dma_wait3A_162 : memref<1x128xi32, #tpu.memory_space<vmem>> -> memref<128xi32, #tpu.memory_space<vmem>>
      %dma_wait3A_164 = arith.constant 0 : i32
      %dma_wait3A_165 = arith.constant 0 : i32
      %dma_wait3A_166 = tpu.memref_slice %arg2[%dma_wait3A_164, %dma_wait3A_165] : memref<200000x32xf32, #tpu.memory_space<hbm>> -> memref<200000x32xf32, #tpu.memory_space<hbm>>
      tpu.wait_indirect_dma semaphore(%arg10 : memref<!tpu.dma_semaphore, #tpu.memory_space<semaphore_mem>>) src(%dma_wait3A_166 : memref<200000x32xf32, #tpu.memory_space<hbm>>) dst(%dma_wait3A_160 : memref<128x32xf32, #tpu.memory_space<vmem>>)
      %dma_wait3A_167 = arith.constant 6 : i32
      %dma_wait3A_168 = arith.constant 768 : i32
      %dma_wait3A_169 = arith.constant 0 : i32
      %dma_wait3A_170 = tpu.memref_slice %arg9[%dma_wait3A_168, %dma_wait3A_169] : memref<1024x32xf32, #tpu.memory_space<vmem>> -> memref<128x32xf32, #tpu.memory_space<vmem>>
      %dma_wait3A_171 = arith.constant 0 : i32
      %dma_wait3A_172 = tpu.memref_slice %arg7[%dma_wait3A_167, %dma_wait3A_171] : memref<8x128xi32, #tpu.memory_space<vmem>> -> memref<1x128xi32, #tpu.memory_space<vmem>>
      %dma_wait3A_173 = tpu.memref_squeeze %dma_wait3A_172 : memref<1x128xi32, #tpu.memory_space<vmem>> -> memref<128xi32, #tpu.memory_space<vmem>>
      %dma_wait3A_174 = arith.constant 0 : i32
      %dma_wait3A_175 = arith.constant 0 : i32
      %dma_wait3A_176 = tpu.memref_slice %arg2[%dma_wait3A_174, %dma_wait3A_175] : memref<200000x32xf32, #tpu.memory_space<hbm>> -> memref<200000x32xf32, #tpu.memory_space<hbm>>
      tpu.wait_indirect_dma semaphore(%arg10 : memref<!tpu.dma_semaphore, #tpu.memory_space<semaphore_mem>>) src(%dma_wait3A_176 : memref<200000x32xf32, #tpu.memory_space<hbm>>) dst(%dma_wait3A_170 : memref<128x32xf32, #tpu.memory_space<vmem>>)
      %dma_wait3A_177 = arith.constant 7 : i32
      %dma_wait3A_178 = arith.constant 896 : i32
      %dma_wait3A_179 = arith.constant 0 : i32
      %dma_wait3A_180 = tpu.memref_slice %arg9[%dma_wait3A_178, %dma_wait3A_179] : memref<1024x32xf32, #tpu.memory_space<vmem>> -> memref<128x32xf32, #tpu.memory_space<vmem>>
      %dma_wait3A_181 = arith.constant 0 : i32
      %dma_wait3A_182 = tpu.memref_slice %arg7[%dma_wait3A_177, %dma_wait3A_181] : memref<8x128xi32, #tpu.memory_space<vmem>> -> memref<1x128xi32, #tpu.memory_space<vmem>>
      %dma_wait3A_183 = tpu.memref_squeeze %dma_wait3A_182 : memref<1x128xi32, #tpu.memory_space<vmem>> -> memref<128xi32, #tpu.memory_space<vmem>>
      %dma_wait3A_184 = arith.constant 0 : i32
      %dma_wait3A_185 = arith.constant 0 : i32
      %dma_wait3A_186 = tpu.memref_slice %arg2[%dma_wait3A_184, %dma_wait3A_185] : memref<200000x32xf32, #tpu.memory_space<hbm>> -> memref<200000x32xf32, #tpu.memory_space<hbm>>
      tpu.wait_indirect_dma semaphore(%arg10 : memref<!tpu.dma_semaphore, #tpu.memory_space<semaphore_mem>>) src(%dma_wait3A_186 : memref<200000x32xf32, #tpu.memory_space<hbm>>) dst(%dma_wait3A_180 : memref<128x32xf32, #tpu.memory_space<vmem>>)
      %dma_start3A_187 = arith.constant 0 : i32
      %dma_start3A_188 = arith.constant 0 : i32
      %dma_start3A_189 = arith.constant 0 : i32
      %dma_start3A_190 = tpu.memref_slice %arg9[%dma_start3A_188, %dma_start3A_189] : memref<1024x32xf32, #tpu.memory_space<vmem>> -> memref<128x32xf32, #tpu.memory_space<vmem>>
      %dma_start3A_191 = arith.constant 0 : i32
      %dma_start3A_192 = tpu.memref_slice %arg8[%dma_start3A_187, %dma_start3A_191] : memref<8x128xi32, #tpu.memory_space<vmem>> -> memref<1x128xi32, #tpu.memory_space<vmem>>
      %dma_start3A_193 = tpu.memref_squeeze %dma_start3A_192 : memref<1x128xi32, #tpu.memory_space<vmem>> -> memref<128xi32, #tpu.memory_space<vmem>>
      %dma_start3A_194 = arith.constant 0 : i32
      %dma_start3A_195 = arith.constant 0 : i32
      %dma_start3A_196 = tpu.memref_slice %arg3[%dma_start3A_194, %dma_start3A_195] : memref<5000x32xf32, #tpu.memory_space<hbm>> -> memref<5000x32xf32, #tpu.memory_space<hbm>>
      tpu.enqueue_indirect_dma source(%dma_start3A_196 : memref<5000x32xf32, #tpu.memory_space<hbm>>) target(%dma_start3A_190 : memref<128x32xf32, #tpu.memory_space<vmem>>) offsets(%dma_start3A_193 : memref<128xi32, #tpu.memory_space<vmem>>) semaphore(%arg10 : memref<!tpu.dma_semaphore, #tpu.memory_space<semaphore_mem>>) {add = true}
      %dma_start3A_197 = arith.constant 1 : i32
      %dma_start3A_198 = arith.constant 128 : i32
      %dma_start3A_199 = arith.constant 0 : i32
      %dma_start3A_200 = tpu.memref_slice %arg9[%dma_start3A_198, %dma_start3A_199] : memref<1024x32xf32, #tpu.memory_space<vmem>> -> memref<128x32xf32, #tpu.memory_space<vmem>>
      %dma_start3A_201 = arith.constant 0 : i32
      %dma_start3A_202 = tpu.memref_slice %arg8[%dma_start3A_197, %dma_start3A_201] : memref<8x128xi32, #tpu.memory_space<vmem>> -> memref<1x128xi32, #tpu.memory_space<vmem>>
      %dma_start3A_203 = tpu.memref_squeeze %dma_start3A_202 : memref<1x128xi32, #tpu.memory_space<vmem>> -> memref<128xi32, #tpu.memory_space<vmem>>
      %dma_start3A_204 = arith.constant 0 : i32
      %dma_start3A_205 = arith.constant 0 : i32
      %dma_start3A_206 = tpu.memref_slice %arg3[%dma_start3A_204, %dma_start3A_205] : memref<5000x32xf32, #tpu.memory_space<hbm>> -> memref<5000x32xf32, #tpu.memory_space<hbm>>
      tpu.enqueue_indirect_dma source(%dma_start3A_206 : memref<5000x32xf32, #tpu.memory_space<hbm>>) target(%dma_start3A_200 : memref<128x32xf32, #tpu.memory_space<vmem>>) offsets(%dma_start3A_203 : memref<128xi32, #tpu.memory_space<vmem>>) semaphore(%arg10 : memref<!tpu.dma_semaphore, #tpu.memory_space<semaphore_mem>>) {add = true}
      %dma_start3A_207 = arith.constant 2 : i32
      %dma_start3A_208 = arith.constant 256 : i32
      %dma_start3A_209 = arith.constant 0 : i32
      %dma_start3A_210 = tpu.memref_slice %arg9[%dma_start3A_208, %dma_start3A_209] : memref<1024x32xf32, #tpu.memory_space<vmem>> -> memref<128x32xf32, #tpu.memory_space<vmem>>
      %dma_start3A_211 = arith.constant 0 : i32
      %dma_start3A_212 = tpu.memref_slice %arg8[%dma_start3A_207, %dma_start3A_211] : memref<8x128xi32, #tpu.memory_space<vmem>> -> memref<1x128xi32, #tpu.memory_space<vmem>>
      %dma_start3A_213 = tpu.memref_squeeze %dma_start3A_212 : memref<1x128xi32, #tpu.memory_space<vmem>> -> memref<128xi32, #tpu.memory_space<vmem>>
      %dma_start3A_214 = arith.constant 0 : i32
      %dma_start3A_215 = arith.constant 0 : i32
      %dma_start3A_216 = tpu.memref_slice %arg3[%dma_start3A_214, %dma_start3A_215] : memref<5000x32xf32, #tpu.memory_space<hbm>> -> memref<5000x32xf32, #tpu.memory_space<hbm>>
      tpu.enqueue_indirect_dma source(%dma_start3A_216 : memref<5000x32xf32, #tpu.memory_space<hbm>>) target(%dma_start3A_210 : memref<128x32xf32, #tpu.memory_space<vmem>>) offsets(%dma_start3A_213 : memref<128xi32, #tpu.memory_space<vmem>>) semaphore(%arg10 : memref<!tpu.dma_semaphore, #tpu.memory_space<semaphore_mem>>) {add = true}
      %dma_start3A_217 = arith.constant 3 : i32
      %dma_start3A_218 = arith.constant 384 : i32
      %dma_start3A_219 = arith.constant 0 : i32
      %dma_start3A_220 = tpu.memref_slice %arg9[%dma_start3A_218, %dma_start3A_219] : memref<1024x32xf32, #tpu.memory_space<vmem>> -> memref<128x32xf32, #tpu.memory_space<vmem>>
      %dma_start3A_221 = arith.constant 0 : i32
      %dma_start3A_222 = tpu.memref_slice %arg8[%dma_start3A_217, %dma_start3A_221] : memref<8x128xi32, #tpu.memory_space<vmem>> -> memref<1x128xi32, #tpu.memory_space<vmem>>
      %dma_start3A_223 = tpu.memref_squeeze %dma_start3A_222 : memref<1x128xi32, #tpu.memory_space<vmem>> -> memref<128xi32, #tpu.memory_space<vmem>>
      %dma_start3A_224 = arith.constant 0 : i32
      %dma_start3A_225 = arith.constant 0 : i32
      %dma_start3A_226 = tpu.memref_slice %arg3[%dma_start3A_224, %dma_start3A_225] : memref<5000x32xf32, #tpu.memory_space<hbm>> -> memref<5000x32xf32, #tpu.memory_space<hbm>>
      tpu.enqueue_indirect_dma source(%dma_start3A_226 : memref<5000x32xf32, #tpu.memory_space<hbm>>) target(%dma_start3A_220 : memref<128x32xf32, #tpu.memory_space<vmem>>) offsets(%dma_start3A_223 : memref<128xi32, #tpu.memory_space<vmem>>) semaphore(%arg10 : memref<!tpu.dma_semaphore, #tpu.memory_space<semaphore_mem>>) {add = true}
      %dma_start3A_227 = arith.constant 4 : i32
      %dma_start3A_228 = arith.constant 512 : i32
      %dma_start3A_229 = arith.constant 0 : i32
      %dma_start3A_230 = tpu.memref_slice %arg9[%dma_start3A_228, %dma_start3A_229] : memref<1024x32xf32, #tpu.memory_space<vmem>> -> memref<128x32xf32, #tpu.memory_space<vmem>>
      %dma_start3A_231 = arith.constant 0 : i32
      %dma_start3A_232 = tpu.memref_slice %arg8[%dma_start3A_227, %dma_start3A_231] : memref<8x128xi32, #tpu.memory_space<vmem>> -> memref<1x128xi32, #tpu.memory_space<vmem>>
      %dma_start3A_233 = tpu.memref_squeeze %dma_start3A_232 : memref<1x128xi32, #tpu.memory_space<vmem>> -> memref<128xi32, #tpu.memory_space<vmem>>
      %dma_start3A_234 = arith.constant 0 : i32
      %dma_start3A_235 = arith.constant 0 : i32
      %dma_start3A_236 = tpu.memref_slice %arg3[%dma_start3A_234, %dma_start3A_235] : memref<5000x32xf32, #tpu.memory_space<hbm>> -> memref<5000x32xf32, #tpu.memory_space<hbm>>
      tpu.enqueue_indirect_dma source(%dma_start3A_236 : memref<5000x32xf32, #tpu.memory_space<hbm>>) target(%dma_start3A_230 : memref<128x32xf32, #tpu.memory_space<vmem>>) offsets(%dma_start3A_233 : memref<128xi32, #tpu.memory_space<vmem>>) semaphore(%arg10 : memref<!tpu.dma_semaphore, #tpu.memory_space<semaphore_mem>>) {add = true}
      %dma_start3A_237 = arith.constant 5 : i32
      %dma_start3A_238 = arith.constant 640 : i32
      %dma_start3A_239 = arith.constant 0 : i32
      %dma_start3A_240 = tpu.memref_slice %arg9[%dma_start3A_238, %dma_start3A_239] : memref<1024x32xf32, #tpu.memory_space<vmem>> -> memref<128x32xf32, #tpu.memory_space<vmem>>
      %dma_start3A_241 = arith.constant 0 : i32
      %dma_start3A_242 = tpu.memref_slice %arg8[%dma_start3A_237, %dma_start3A_241] : memref<8x128xi32, #tpu.memory_space<vmem>> -> memref<1x128xi32, #tpu.memory_space<vmem>>
      %dma_start3A_243 = tpu.memref_squeeze %dma_start3A_242 : memref<1x128xi32, #tpu.memory_space<vmem>> -> memref<128xi32, #tpu.memory_space<vmem>>
      %dma_start3A_244 = arith.constant 0 : i32
      %dma_start3A_245 = arith.constant 0 : i32
      %dma_start3A_246 = tpu.memref_slice %arg3[%dma_start3A_244, %dma_start3A_245] : memref<5000x32xf32, #tpu.memory_space<hbm>> -> memref<5000x32xf32, #tpu.memory_space<hbm>>
      tpu.enqueue_indirect_dma source(%dma_start3A_246 : memref<5000x32xf32, #tpu.memory_space<hbm>>) target(%dma_start3A_240 : memref<128x32xf32, #tpu.memory_space<vmem>>) offsets(%dma_start3A_243 : memref<128xi32, #tpu.memory_space<vmem>>) semaphore(%arg10 : memref<!tpu.dma_semaphore, #tpu.memory_space<semaphore_mem>>) {add = true}
      %dma_start3A_247 = arith.constant 6 : i32
      %dma_start3A_248 = arith.constant 768 : i32
      %dma_start3A_249 = arith.constant 0 : i32
      %dma_start3A_250 = tpu.memref_slice %arg9[%dma_start3A_248, %dma_start3A_249] : memref<1024x32xf32, #tpu.memory_space<vmem>> -> memref<128x32xf32, #tpu.memory_space<vmem>>
      %dma_start3A_251 = arith.constant 0 : i32
      %dma_start3A_252 = tpu.memref_slice %arg8[%dma_start3A_247, %dma_start3A_251] : memref<8x128xi32, #tpu.memory_space<vmem>> -> memref<1x128xi32, #tpu.memory_space<vmem>>
      %dma_start3A_253 = tpu.memref_squeeze %dma_start3A_252 : memref<1x128xi32, #tpu.memory_space<vmem>> -> memref<128xi32, #tpu.memory_space<vmem>>
      %dma_start3A_254 = arith.constant 0 : i32
      %dma_start3A_255 = arith.constant 0 : i32
      %dma_start3A_256 = tpu.memref_slice %arg3[%dma_start3A_254, %dma_start3A_255] : memref<5000x32xf32, #tpu.memory_space<hbm>> -> memref<5000x32xf32, #tpu.memory_space<hbm>>
      tpu.enqueue_indirect_dma source(%dma_start3A_256 : memref<5000x32xf32, #tpu.memory_space<hbm>>) target(%dma_start3A_250 : memref<128x32xf32, #tpu.memory_space<vmem>>) offsets(%dma_start3A_253 : memref<128xi32, #tpu.memory_space<vmem>>) semaphore(%arg10 : memref<!tpu.dma_semaphore, #tpu.memory_space<semaphore_mem>>) {add = true}
      %dma_start3A_257 = arith.constant 7 : i32
      %dma_start3A_258 = arith.constant 896 : i32
      %dma_start3A_259 = arith.constant 0 : i32
      %dma_start3A_260 = tpu.memref_slice %arg9[%dma_start3A_258, %dma_start3A_259] : memref<1024x32xf32, #tpu.memory_space<vmem>> -> memref<128x32xf32, #tpu.memory_space<vmem>>
      %dma_start3A_261 = arith.constant 0 : i32
      %dma_start3A_262 = tpu.memref_slice %arg8[%dma_start3A_257, %dma_start3A_261] : memref<8x128xi32, #tpu.memory_space<vmem>> -> memref<1x128xi32, #tpu.memory_space<vmem>>
      %dma_start3A_263 = tpu.memref_squeeze %dma_start3A_262 : memref<1x128xi32, #tpu.memory_space<vmem>> -> memref<128xi32, #tpu.memory_space<vmem>>
      %dma_start3A_264 = arith.constant 0 : i32
      %dma_start3A_265 = arith.constant 0 : i32
      %dma_start3A_266 = tpu.memref_slice %arg3[%dma_start3A_264, %dma_start3A_265] : memref<5000x32xf32, #tpu.memory_space<hbm>> -> memref<5000x32xf32, #tpu.memory_space<hbm>>
      tpu.enqueue_indirect_dma source(%dma_start3A_266 : memref<5000x32xf32, #tpu.memory_space<hbm>>) target(%dma_start3A_260 : memref<128x32xf32, #tpu.memory_space<vmem>>) offsets(%dma_start3A_263 : memref<128xi32, #tpu.memory_space<vmem>>) semaphore(%arg10 : memref<!tpu.dma_semaphore, #tpu.memory_space<semaphore_mem>>) {add = true}
      %dma_wait3A_267 = arith.constant 0 : i32
      %dma_wait3A_268 = arith.constant 0 : i32
      %dma_wait3A_269 = arith.constant 0 : i32
      %dma_wait3A_270 = tpu.memref_slice %arg9[%dma_wait3A_268, %dma_wait3A_269] : memref<1024x32xf32, #tpu.memory_space<vmem>> -> memref<128x32xf32, #tpu.memory_space<vmem>>
      %dma_wait3A_271 = arith.constant 0 : i32
      %dma_wait3A_272 = tpu.memref_slice %arg8[%dma_wait3A_267, %dma_wait3A_271] : memref<8x128xi32, #tpu.memory_space<vmem>> -> memref<1x128xi32, #tpu.memory_space<vmem>>
      %dma_wait3A_273 = tpu.memref_squeeze %dma_wait3A_272 : memref<1x128xi32, #tpu.memory_space<vmem>> -> memref<128xi32, #tpu.memory_space<vmem>>
      %dma_wait3A_274 = arith.constant 0 : i32
      %dma_wait3A_275 = arith.constant 0 : i32
      %dma_wait3A_276 = tpu.memref_slice %arg3[%dma_wait3A_274, %dma_wait3A_275] : memref<5000x32xf32, #tpu.memory_space<hbm>> -> memref<5000x32xf32, #tpu.memory_space<hbm>>
      tpu.wait_indirect_dma semaphore(%arg10 : memref<!tpu.dma_semaphore, #tpu.memory_space<semaphore_mem>>) src(%dma_wait3A_276 : memref<5000x32xf32, #tpu.memory_space<hbm>>) dst(%dma_wait3A_270 : memref<128x32xf32, #tpu.memory_space<vmem>>)
      %dma_wait3A_277 = arith.constant 1 : i32
      %dma_wait3A_278 = arith.constant 128 : i32
      %dma_wait3A_279 = arith.constant 0 : i32
      %dma_wait3A_280 = tpu.memref_slice %arg9[%dma_wait3A_278, %dma_wait3A_279] : memref<1024x32xf32, #tpu.memory_space<vmem>> -> memref<128x32xf32, #tpu.memory_space<vmem>>
      %dma_wait3A_281 = arith.constant 0 : i32
      %dma_wait3A_282 = tpu.memref_slice %arg8[%dma_wait3A_277, %dma_wait3A_281] : memref<8x128xi32, #tpu.memory_space<vmem>> -> memref<1x128xi32, #tpu.memory_space<vmem>>
      %dma_wait3A_283 = tpu.memref_squeeze %dma_wait3A_282 : memref<1x128xi32, #tpu.memory_space<vmem>> -> memref<128xi32, #tpu.memory_space<vmem>>
      %dma_wait3A_284 = arith.constant 0 : i32
      %dma_wait3A_285 = arith.constant 0 : i32
      %dma_wait3A_286 = tpu.memref_slice %arg3[%dma_wait3A_284, %dma_wait3A_285] : memref<5000x32xf32, #tpu.memory_space<hbm>> -> memref<5000x32xf32, #tpu.memory_space<hbm>>
      tpu.wait_indirect_dma semaphore(%arg10 : memref<!tpu.dma_semaphore, #tpu.memory_space<semaphore_mem>>) src(%dma_wait3A_286 : memref<5000x32xf32, #tpu.memory_space<hbm>>) dst(%dma_wait3A_280 : memref<128x32xf32, #tpu.memory_space<vmem>>)
      %dma_wait3A_287 = arith.constant 2 : i32
      %dma_wait3A_288 = arith.constant 256 : i32
      %dma_wait3A_289 = arith.constant 0 : i32
      %dma_wait3A_290 = tpu.memref_slice %arg9[%dma_wait3A_288, %dma_wait3A_289] : memref<1024x32xf32, #tpu.memory_space<vmem>> -> memref<128x32xf32, #tpu.memory_space<vmem>>
      %dma_wait3A_291 = arith.constant 0 : i32
      %dma_wait3A_292 = tpu.memref_slice %arg8[%dma_wait3A_287, %dma_wait3A_291] : memref<8x128xi32, #tpu.memory_space<vmem>> -> memref<1x128xi32, #tpu.memory_space<vmem>>
      %dma_wait3A_293 = tpu.memref_squeeze %dma_wait3A_292 : memref<1x128xi32, #tpu.memory_space<vmem>> -> memref<128xi32, #tpu.memory_space<vmem>>
      %dma_wait3A_294 = arith.constant 0 : i32
      %dma_wait3A_295 = arith.constant 0 : i32
      %dma_wait3A_296 = tpu.memref_slice %arg3[%dma_wait3A_294, %dma_wait3A_295] : memref<5000x32xf32, #tpu.memory_space<hbm>> -> memref<5000x32xf32, #tpu.memory_space<hbm>>
      tpu.wait_indirect_dma semaphore(%arg10 : memref<!tpu.dma_semaphore, #tpu.memory_space<semaphore_mem>>) src(%dma_wait3A_296 : memref<5000x32xf32, #tpu.memory_space<hbm>>) dst(%dma_wait3A_290 : memref<128x32xf32, #tpu.memory_space<vmem>>)
      %dma_wait3A_297 = arith.constant 3 : i32
      %dma_wait3A_298 = arith.constant 384 : i32
      %dma_wait3A_299 = arith.constant 0 : i32
      %dma_wait3A_300 = tpu.memref_slice %arg9[%dma_wait3A_298, %dma_wait3A_299] : memref<1024x32xf32, #tpu.memory_space<vmem>> -> memref<128x32xf32, #tpu.memory_space<vmem>>
      %dma_wait3A_301 = arith.constant 0 : i32
      %dma_wait3A_302 = tpu.memref_slice %arg8[%dma_wait3A_297, %dma_wait3A_301] : memref<8x128xi32, #tpu.memory_space<vmem>> -> memref<1x128xi32, #tpu.memory_space<vmem>>
      %dma_wait3A_303 = tpu.memref_squeeze %dma_wait3A_302 : memref<1x128xi32, #tpu.memory_space<vmem>> -> memref<128xi32, #tpu.memory_space<vmem>>
      %dma_wait3A_304 = arith.constant 0 : i32
      %dma_wait3A_305 = arith.constant 0 : i32
      %dma_wait3A_306 = tpu.memref_slice %arg3[%dma_wait3A_304, %dma_wait3A_305] : memref<5000x32xf32, #tpu.memory_space<hbm>> -> memref<5000x32xf32, #tpu.memory_space<hbm>>
      tpu.wait_indirect_dma semaphore(%arg10 : memref<!tpu.dma_semaphore, #tpu.memory_space<semaphore_mem>>) src(%dma_wait3A_306 : memref<5000x32xf32, #tpu.memory_space<hbm>>) dst(%dma_wait3A_300 : memref<128x32xf32, #tpu.memory_space<vmem>>)
      %dma_wait3A_307 = arith.constant 4 : i32
      %dma_wait3A_308 = arith.constant 512 : i32
      %dma_wait3A_309 = arith.constant 0 : i32
      %dma_wait3A_310 = tpu.memref_slice %arg9[%dma_wait3A_308, %dma_wait3A_309] : memref<1024x32xf32, #tpu.memory_space<vmem>> -> memref<128x32xf32, #tpu.memory_space<vmem>>
      %dma_wait3A_311 = arith.constant 0 : i32
      %dma_wait3A_312 = tpu.memref_slice %arg8[%dma_wait3A_307, %dma_wait3A_311] : memref<8x128xi32, #tpu.memory_space<vmem>> -> memref<1x128xi32, #tpu.memory_space<vmem>>
      %dma_wait3A_313 = tpu.memref_squeeze %dma_wait3A_312 : memref<1x128xi32, #tpu.memory_space<vmem>> -> memref<128xi32, #tpu.memory_space<vmem>>
      %dma_wait3A_314 = arith.constant 0 : i32
      %dma_wait3A_315 = arith.constant 0 : i32
      %dma_wait3A_316 = tpu.memref_slice %arg3[%dma_wait3A_314, %dma_wait3A_315] : memref<5000x32xf32, #tpu.memory_space<hbm>> -> memref<5000x32xf32, #tpu.memory_space<hbm>>
      tpu.wait_indirect_dma semaphore(%arg10 : memref<!tpu.dma_semaphore, #tpu.memory_space<semaphore_mem>>) src(%dma_wait3A_316 : memref<5000x32xf32, #tpu.memory_space<hbm>>) dst(%dma_wait3A_310 : memref<128x32xf32, #tpu.memory_space<vmem>>)
      %dma_wait3A_317 = arith.constant 5 : i32
      %dma_wait3A_318 = arith.constant 640 : i32
      %dma_wait3A_319 = arith.constant 0 : i32
      %dma_wait3A_320 = tpu.memref_slice %arg9[%dma_wait3A_318, %dma_wait3A_319] : memref<1024x32xf32, #tpu.memory_space<vmem>> -> memref<128x32xf32, #tpu.memory_space<vmem>>
      %dma_wait3A_321 = arith.constant 0 : i32
      %dma_wait3A_322 = tpu.memref_slice %arg8[%dma_wait3A_317, %dma_wait3A_321] : memref<8x128xi32, #tpu.memory_space<vmem>> -> memref<1x128xi32, #tpu.memory_space<vmem>>
      %dma_wait3A_323 = tpu.memref_squeeze %dma_wait3A_322 : memref<1x128xi32, #tpu.memory_space<vmem>> -> memref<128xi32, #tpu.memory_space<vmem>>
      %dma_wait3A_324 = arith.constant 0 : i32
      %dma_wait3A_325 = arith.constant 0 : i32
      %dma_wait3A_326 = tpu.memref_slice %arg3[%dma_wait3A_324, %dma_wait3A_325] : memref<5000x32xf32, #tpu.memory_space<hbm>> -> memref<5000x32xf32, #tpu.memory_space<hbm>>
      tpu.wait_indirect_dma semaphore(%arg10 : memref<!tpu.dma_semaphore, #tpu.memory_space<semaphore_mem>>) src(%dma_wait3A_326 : memref<5000x32xf32, #tpu.memory_space<hbm>>) dst(%dma_wait3A_320 : memref<128x32xf32, #tpu.memory_space<vmem>>)
      %dma_wait3A_327 = arith.constant 6 : i32
      %dma_wait3A_328 = arith.constant 768 : i32
      %dma_wait3A_329 = arith.constant 0 : i32
      %dma_wait3A_330 = tpu.memref_slice %arg9[%dma_wait3A_328, %dma_wait3A_329] : memref<1024x32xf32, #tpu.memory_space<vmem>> -> memref<128x32xf32, #tpu.memory_space<vmem>>
      %dma_wait3A_331 = arith.constant 0 : i32
      %dma_wait3A_332 = tpu.memref_slice %arg8[%dma_wait3A_327, %dma_wait3A_331] : memref<8x128xi32, #tpu.memory_space<vmem>> -> memref<1x128xi32, #tpu.memory_space<vmem>>
      %dma_wait3A_333 = tpu.memref_squeeze %dma_wait3A_332 : memref<1x128xi32, #tpu.memory_space<vmem>> -> memref<128xi32, #tpu.memory_space<vmem>>
      %dma_wait3A_334 = arith.constant 0 : i32
      %dma_wait3A_335 = arith.constant 0 : i32
      %dma_wait3A_336 = tpu.memref_slice %arg3[%dma_wait3A_334, %dma_wait3A_335] : memref<5000x32xf32, #tpu.memory_space<hbm>> -> memref<5000x32xf32, #tpu.memory_space<hbm>>
      tpu.wait_indirect_dma semaphore(%arg10 : memref<!tpu.dma_semaphore, #tpu.memory_space<semaphore_mem>>) src(%dma_wait3A_336 : memref<5000x32xf32, #tpu.memory_space<hbm>>) dst(%dma_wait3A_330 : memref<128x32xf32, #tpu.memory_space<vmem>>)
      %dma_wait3A_337 = arith.constant 7 : i32
      %dma_wait3A_338 = arith.constant 896 : i32
      %dma_wait3A_339 = arith.constant 0 : i32
      %dma_wait3A_340 = tpu.memref_slice %arg9[%dma_wait3A_338, %dma_wait3A_339] : memref<1024x32xf32, #tpu.memory_space<vmem>> -> memref<128x32xf32, #tpu.memory_space<vmem>>
      %dma_wait3A_341 = arith.constant 0 : i32
      %dma_wait3A_342 = tpu.memref_slice %arg8[%dma_wait3A_337, %dma_wait3A_341] : memref<8x128xi32, #tpu.memory_space<vmem>> -> memref<1x128xi32, #tpu.memory_space<vmem>>
      %dma_wait3A_343 = tpu.memref_squeeze %dma_wait3A_342 : memref<1x128xi32, #tpu.memory_space<vmem>> -> memref<128xi32, #tpu.memory_space<vmem>>
      %dma_wait3A_344 = arith.constant 0 : i32
      %dma_wait3A_345 = arith.constant 0 : i32
      %dma_wait3A_346 = tpu.memref_slice %arg3[%dma_wait3A_344, %dma_wait3A_345] : memref<5000x32xf32, #tpu.memory_space<hbm>> -> memref<5000x32xf32, #tpu.memory_space<hbm>>
      tpu.wait_indirect_dma semaphore(%arg10 : memref<!tpu.dma_semaphore, #tpu.memory_space<semaphore_mem>>) src(%dma_wait3A_346 : memref<5000x32xf32, #tpu.memory_space<hbm>>) dst(%dma_wait3A_340 : memref<128x32xf32, #tpu.memory_space<vmem>>)
      "tpu.region"() ({
        %run_scoped3A = tpu.sem_alloc : memref<!tpu.dma_semaphore, #tpu.memory_space<semaphore_mem>>
        %dma_start3A_347 = arith.constant 0 : i32
        %dma_start3A_348 = tpu.memref_slice %arg6[%multiple_of3A, %dma_start3A_347] : memref<1638400x32xf32, #tpu.memory_space<hbm>> -> memref<1024x32xf32, #tpu.memory_space<hbm>>
        %dma_start3A_349 = arith.constant 0 : i32
        %dma_start3A_350 = tpu.memref_slice %arg6[%multiple_of3A, %dma_start3A_349] : memref<1638400x32xf32, #tpu.memory_space<hbm>> -> memref<1024x32xf32, #tpu.memory_space<hbm>>
        tpu.enqueue_dma source(%arg9 : memref<1024x32xf32, #tpu.memory_space<vmem>>) target(%dma_start3A_350 : memref<1024x32xf32, #tpu.memory_space<hbm>>) target_semaphore(%run_scoped3A : memref<!tpu.dma_semaphore, #tpu.memory_space<semaphore_mem>>)
        %dma_wait3A_351 = arith.constant 0 : i32
        %dma_wait3A_352 = tpu.memref_slice %arg6[%multiple_of3A, %dma_wait3A_351] : memref<1638400x32xf32, #tpu.memory_space<hbm>> -> memref<1024x32xf32, #tpu.memory_space<hbm>>
        %dma_wait3A_353 = arith.constant 0 : i32
        %dma_wait3A_354 = tpu.memref_slice %arg6[%multiple_of3A, %dma_wait3A_353] : memref<1638400x32xf32, #tpu.memory_space<hbm>> -> memref<1024x32xf32, #tpu.memory_space<hbm>>
        tpu.wait_dma2 semaphore(%run_scoped3A : memref<!tpu.dma_semaphore, #tpu.memory_space<semaphore_mem>>) src(%arg9 : memref<1024x32xf32, #tpu.memory_space<vmem>>) dst(%dma_wait3A_354 : memref<1024x32xf32, #tpu.memory_space<hbm>>)
        tpu.yield
      }) : () -> ()
    }
    %scan3A_7 = arith.constant 50 : i32
    return
  }
}

module attributes {stable_mosaic.version = 14 : i64} {
  func.func @_scale_body(%arg0: i32, %arg1: memref<1000x128xf32, #tpu.memory_space<vmem>>, %arg2: memref<1000x128xf32, #tpu.memory_space<vmem>>) attributes {dimension_semantics = [#tpu.dimension_semantics<arbitrary>], iteration_bounds = array<i64: 50>, scalar_prefetch = 0 : i64, scratch_operands = 0 : i64, tpu.core_type = #tpu.core_type<tc>, window_params = [{transform_indices = @transform_0, window_bounds = array<i64: 1000, 128>}, {transform_indices = @transform_1, window_bounds = array<i64: 1000, 128>}]} {
    %get3A = arith.constant 0 : index
    %get3A_0 = arith.constant 0 : index
    %get3A_1 = vector.load %arg1[%get3A, %get3A_0] : memref<1000x128xf32, #tpu.memory_space<vmem>>, vector<1000x128xf32>
    %mul3A = arith.constant 8.000000e+00 : f32
    %mul3A_2 = vector.broadcast %mul3A : f32 to vector<1000x128xf32>
    %mul3A_3 = arith.mulf %get3A_1, %mul3A_2 : vector<1000x128xf32>
    %swap3A = arith.constant 0 : index
    %swap3A_4 = arith.constant 0 : index
    %swap3A_5 = vector.load %arg2[%swap3A, %swap3A_4] : memref<1000x128xf32, #tpu.memory_space<vmem>>, vector<1000x128xf32>
    tpu.vector_store %arg2[%swap3A, %swap3A_4], %mul3A_3 {strides = array<i32>} : memref<1000x128xf32, #tpu.memory_space<vmem>>, vector<1000x128xf32>,
    return
  }
  func.func @transform_0(%arg0: i32) -> (i32, i32) {
    %c0_i32 = arith.constant 0 : i32
    %c0_i32_0 = arith.constant 0 : i32
    return %arg0, %c0_i32 : i32, i32
  }
  func.func @transform_1(%arg0: i32) -> (i32, i32) {
    %c0_i32 = arith.constant 0 : i32
    %c0_i32_0 = arith.constant 0 : i32
    return %arg0, %c0_i32 : i32, i32
  }
}

</mosaic_0001>

<sc_bundles>
// kernel: kernel.4.cloned.1.call-start
scs
__scs_entry_jumppad:
0x0: {  	(pc) =	sbr.rel $0x88, $3  }
0x1: {  	(tag) =	ssettag $0x0;
	lr =	simm.s32 $0x1  }
0x2: {  	[smem:$0x3F9D] =	sst lr;
	_ =	strace $0xD0000000  }
0x3: {  	_ = 	snop  }
0x4: {  	_ = 	snop  }
0x5: {  	_ = 	snop  }
0x6: {  	_ = 	snop  }
0x7: {  	_ = 	snop  }
__scs_overlays_trampoline_lowered:
0x8: {  	[smem:$0x3FAC] =	sst s0  }
0x9: {  	[smem:$0x3FAD] =	sst s1  }
0xa: {  	[smem:$0x3FAE] =	sst s2  }
0xb: {  	[smem:$0x3FAF] =	sst s3  }
0xc: {  	[smem:$0x3FB0] =	sst s4  }
0xd: {  	[smem:$0x3FB1] =	sst s5  }
0xe: {  	[smem:$0x3FB2] =	sst s6  }
0xf: {  	[smem:$0x3FB3] =	sst s7  }
0x10: {  	[smem:$0x3FB4] =	sst s8  }
0x11: {  	[smem:$0x3FB5] =	sst s9;
	s0 =	simm.s32 @!p0 $0x0  }
0x12: {  	s1 =	sld [smem:$0x3F9B];
	s0 =	simm.s32 @p0 $0x1  }
0x13: {  	[smem:$0x3FB6] =	sst s0;
	s0 =	simm.s32 @!p1 $0x0  }
0x14: {  	s2 =	sld [smem:$0x3F9A];
	s0 =	simm.s32 @p1 $0x1  }
0x15: {  	[smem:$0x3FB7] =	sst s0;
	s0 =	simm.s32 @!p2 $0x0  }
0x16: {  	s3 =	sld [smem:$0x3FDB];
	s0 =	simm.s32 @p2 $0x1  }
0x17: {  	s4 =	simm.s32 $0x1BF5;
	[smem:$0x3FB9] =	sst s0  }
0x18: {  	s0 =	sld [smem:$0x3F9C];
	_ =	swait.ge [sflag:s4], $0x0  }
0x19: {  	s7 =	sld [smem:$0x3F9D]  }
0x1a: {  	s8 =	sadd.s32 $0xFFFFE003, lr  }
0x1b: {  	s9 =	sadd.s32 $0xFFFFFEF7, lr;
	s5 =	simm.s32 $0xFFFFFFFF;
	p2 =	slt.u32 s8, $0xFFFFF086  }
0x1c: {  	p1 =	slt.u32 s9, $0xF7A;
	s5 =	simm.s32 @!p2 $0x0  }
0x1d: {  	s5 =	simm.s32 @p1 $0x1;
	p0 =	seq.s32 s7, s2  }
0x1e: {  	s7 =	smul.u32 @!p0 $0xF7A, s2;
	p2 =	seq.s32 @!p0 s5, $0x0  }
0x1f: {  	s9 =	smul.u32 $0xF7A, s1;
	s8 =	simm.s32 @!p0 $0x1BF5;
	p2 =	por !p2, p0  }
0x20: {  	[sflag:s8] =	ssyncset.s32 @!p0 $0xFFFFF086;
	s6 =	sadd.s32 @!p0 s3, s7;
	s7 =	simm.s32 @!p0 $0x108  }
0x21: {  	s3 =	sadd.s32 s3, s9;
	s6 =	sadd.s32 @!p0 $0x88, s6;
	s7 =	simm.s32 @p2 $0x1082  }
0x22: {  	[simem:s7], [sflag:s8] =	dma.local @!p0 [hbm:s6], $0xF7A  }
0x23: {  	s9 =	sor.u32 $0xD0000000, s2;
	s6 =	simm.s32 $0x108;
	_ =	swait.ge @!p0 [sflag:s8], $0x0  }
0x24: {  	s3 =	sadd.s32 $0x88, s3;
	s6 =	simm.s32 @!p1 $0x1082;
	[sflag:s4] =	ssyncset.s32 $0xFFFFF086  }
0x25: {  	[simem:s6], [sflag:s4] =	dma.local [hbm:s3], $0xF7A  }
0x26: {  	[smem:$0x3F9D] =	sst s1;
	(tag) =	ssettag s2;
	_ =	strace s9  }
0x27: {  	s1 =	sld [smem:$0x3FAD]  }
0x28: {  	s2 =	sld [smem:$0x3FAE]  }
0x29: {  	s4 =	sld [smem:$0x3FB0]  }
0x2a: {  	p0 =	seq.s32 s5, $0x0;
	s5 =	sld [smem:$0x3FB1]  }
0x2b: {  	s6 =	sld [smem:$0x3FB2]  }
0x2c: {  	s7 =	sld [smem:$0x3FB3]  }
0x2d: {  	s3 =	simm.s32 $0x108;
	s8 =	sld [smem:$0x3FB4]  }
0x2e: {  	s3 =	simm.s32 @!p0 $0x1082;
	s9 =	sld [smem:$0x3FB5]  }
0x2f: {  	lr =	sadd.s32 s0, s3;
	s0 =	sld [smem:$0x3FAC]  }
0x30: {  	s3 =	sld [smem:$0x3FAF]  }
0x31: {  	[smem:$0x3FB8] =	sst s10  }
0x32: {  	s10 =	sld [smem:$0x3FB6];
	_ =	sdelay $0x3  }
0x33: {  	p0 =	seq.s32 s10, $0x1;
	s10 =	sld [smem:$0x3FB8];
	_ =	sdelay $0x3  }
0x34: {  	[smem:$0x3FB8] =	sst s10  }
0x35: {  	s10 =	sld [smem:$0x3FB7];
	_ =	sdelay $0x3  }
0x36: {  	p1 =	seq.s32 s10, $0x1;
	s10 =	sld [smem:$0x3FB8];
	_ =	sdelay $0x3  }
0x37: {  	[smem:$0x3FB8] =	sst s10  }
0x38: {  	s10 =	sld [smem:$0x3FB9]  }
0x39: {  	_ = 	snop;
	(pc) =	sbr.ind lr, $3  }
0x3a: {  	_ = 	snop  }
0x3b: {  	_ = 	snop  }
0x3c: {  	p2 =	seq.s32 s10, $0x1;
	s10 =	sld [smem:$0x3FB8]  }
0x3d: {  	_ =	shalt  }
0x3e: {  	_ =	shalt  }
0x3f: {  	_ =	shalt  }
0x40: {  	_ =	shalt  }
0x41: {  	_ =	shalt  }
0x42: {  	_ =	shalt  }
0x43: {  	_ =	shalt  }
0x44: {  	_ =	shalt  }
0x45: {  	_ =	shalt  }
0x46: {  	_ =	shalt  }
0x47: {  	_ =	shalt  }
0x48: {  	_ =	shalt  }
0x49: {  	_ =	shalt  }
0x4a: {  	_ =	shalt  }
0x4b: {  	_ =	shalt  }
0x4c: {  	_ =	shalt  }
0x4d: {  	_ =	shalt  }
0x4e: {  	_ =	shalt  }
0x4f: {  	_ =	shalt  }
0x50: {  	_ =	shalt  }
0x51: {  	_ =	shalt  }
0x52: {  	_ =	shalt  }
0x53: {  	_ =	shalt  }
0x54: {  	_ =	shalt  }
0x55: {  	_ =	shalt  }
0x56: {  	_ =	shalt  }
0x57: {  	_ =	shalt  }
0x58: {  	_ =	shalt  }
0x59: {  	_ =	shalt  }
0x5a: {  	_ =	shalt  }
0x5b: {  	_ =	shalt  }
0x5c: {  	_ =	shalt  }
0x5d: {  	_ =	shalt  }
0x5e: {  	_ =	shalt  }
0x5f: {  	_ =	shalt  }
0x60: {  	_ =	shalt  }
0x61: {  	_ =	shalt  }
0x62: {  	_ =	shalt  }
0x63: {  	_ =	shalt  }
0x64: {  	_ =	shalt  }
0x65: {  	_ =	shalt  }
0x66: {  	_ =	shalt  }
0x67: {  	_ =	shalt  }
0x68: {  	_ =	shalt  }
0x69: {  	_ =	shalt  }
0x6a: {  	_ =	shalt  }
0x6b: {  	_ =	shalt  }
0x6c: {  	_ =	shalt  }
0x6d: {  	_ =	shalt  }
0x6e: {  	_ =	shalt  }
0x6f: {  	_ =	shalt  }
0x70: {  	_ =	shalt  }
0x71: {  	_ =	shalt  }
0x72: {  	_ =	shalt  }
0x73: {  	_ =	shalt  }
0x74: {  	_ =	shalt  }
0x75: {  	_ =	shalt  }
0x76: {  	_ =	shalt  }
0x77: {  	_ =	shalt  }
0x78: {  	_ =	shalt  }
0x79: {  	_ =	shalt  }
0x7a: {  	_ =	shalt  }
0x7b: {  	_ =	shalt  }
0x7c: {  	_ =	shalt  }
0x7d: {  	_ =	shalt  }
0x7e: {  	_ =	shalt  }
0x7f: {  	_ =	shalt  }
0x80: {  	_ =	shalt  }
0x81: {  	_ =	shalt  }
0x82: {  	_ =	shalt  }
0x83: {  	_ =	shalt  }
0x84: {  	_ =	shalt  }
0x85: {  	_ =	shalt  }
0x86: {  	_ =	shalt  }
0x87: {  	_ =	shalt  }
.Lfunc_end0:
.L_simem_size_0:
called_computation.1_lowered:
.L_overlay_start_0:
0x88: {  	s2 =	sld [smem:$0x3FD9]  }
0x89: {  	s3 =	sld [smem:$0x3FFE];
	_ =	sdelay $0x1  }
0x8a: {  	s1 =	srdreg.scid  }
0x8b: {  	s0 =	sand.u32 $0x1, s1  }
0x8c: {  	s17 =	sshll.u32 s0, $0xA;
	s2 =	sadd.s32 s3, s2  }
0x8d: {  	s2 =	sadd.s32 s2, s17  }
0x8e: {  	[smem:$0x3FC4] =	sst s2  }
0x8f: {  	_ = 	snop  }
0x90: {  	s2 =	sld [smem:$0x3FD0];
	(tm) =	ssettm $0x1  }
0x91: {  	s18 =	sld [smem:$0x3FFB];
	_ =	sdelay $0x3  }
0x92: {  	_ =	strace s18  }
0x93: {  	s3 =	sld [smem:$0x3FFC];
	_ =	sdelay $0x3  }
0x94: {  	_ =	strace s3  }
0x95: {  	s3 =	sld [smem:$0x3FFD];
	_ =	sdelay $0x3  }
0x96: {  	_ =	strace s3  }
0x97: {  	_ =	strace $0x8FFFFFFF  }
0x98: {  	s19 =	sld [smem:$0x3FDB];
	_ =	sdelay $0x1  }
0x99: {  	s4 =	simm.s32 $_scs_section_size  }
0x9a: {  	s5 =	simm.s32 $_size__tile_overlayer_lowered;
	s6 =	simm.s32 $_tile_overlayer_lowered  }
0x9b: {  	s22 =	simm.s32 $0x1BFF;
	s21 =	sshll.u32 s6, $0x1;
	s3 =	sadd.s32 s4, s19  }
0x9c: {  	s7 =	simm.s32 $0x0;
	s20 =	sshll.u32 s5, $0x1;
	s5 =	sadd.s32 s21, s3  }
0x9d: {  	[timem:s7], [sflag:s22] =	dma.local [hbm:s5], s20  }
0x9e: {  	_ =	swait.ge [sflag:s22], s20  }
0x9f: {  	s4 =	ssub.s32 $0x0, s20;
	[sflag:s22] =	ssyncset.done $0x0  }
0xa0: {  	[sflag:s22] =	ssyncadd.s32 s4;
	_ =	sdelay $0x1  }
0xa1: {  	s23 =	simm.s32 $0x1B8B  }
0xa2: {  	_ =	swait.ge [sflag:s23], $0x1  }
0xa3: {  	[sflag:s23] =	ssyncset.done $0x0  }
0xa4: {  	s25 =	simm.s32 $0x1B8E;
	s24 =	sld [smem:$0x3FFE];
	[sflag:s23] =	ssyncadd.s32 $0xFFFFFFFF  }
0xa5: {  	s26 =	simm.s32 $execute0_lowered;
	[smem:$0x3FD2] =	sst s25  }
0xa6: {  	s5 =	sshll.u32 s26, $0x1;
	_ =	strace $0x80000046;
	[dreg:$0x1] =	wrdreg $0xFFFFFFFF  }
0xa7: {  	s28 =	simm.s32 $_size_execute0_lowered;
	s3 =	sadd.s32 s3, s5;
	[dreg:$0x0] =	wrdreg $0x0  }
0xa8: {  	s5 =	sshll.u32 s28, $0x1;
	[dreg:$0x2] =	wrdreg s3  }
0xa9: {  	[dreg:$0x3] =	wrdreg s5  }
0xaa: {  	[dreg:$0x4] =	wrdreg $0xC0  }
0xab: {  	_ =	task [dreg:s7], $0x5FFFF  }
0xac: {  	[dreg:$0x1] =	wrdreg $0xFFFFFFFF  }
0xad: {  	[dreg:$0x0] =	wrdreg $0x60  }
0xae: {  	[dreg:$0x2] =	wrdreg s24  }
0xaf: {  	[dreg:$0x3] =	wrdreg s2  }
0xb0: {  	[dreg:$0x4] =	wrdreg $0x9  }
0xb1: {  	_ =	task.clear_ibuf [dreg:s7], $0x5FFFF;
	_ =	strace $0x90000046  }
0xb2: {  	s29 =	simm.s32 $0x9;
	_ =	strace $0x80000048  }
0xb3: {  	_ =	swait.ge [sflag:s29], $0x1  }
0xb4: {  	[sflag:s29] =	ssyncadd.s32 $0xFFFFFFFF  }
0xb5: {  	_ =	strace $0x90000048  }
0xb6: {  	_ =	sfence  }
0xb7: {  	s30 =	sld [smem:$0x0];
	_ =	sdelay $0x2  }
0xb8: {  	s31 =	sshll.u32 s1, $0xD;
	s1 =	sshrl.u32 s1, $0x2  }
0xb9: {  	s3 =	sand.u32 $0x4000, s31;
	s1 =	sadd.s32 s1, s30  }
0xba: {  	s0 =	sor.u32 s3, s0;
	s1 =	sshll.u32 s1, $0x11  }
0xbb: {  	s0 =	sor.u32 s1, s0  }
0xbc: {  	s0 =	sadd.s32 $0x8F2B, s0  }
0xbd: {  	[sflag:s0] =	ssyncadd.remote.s32 $0x1  }
0xbe: {  	_ =	sfence.sel $0xFFFF  }
0xbf: {  	[dreg:$0x0] =	wrdreg $0xFFFFFFFF;
	(pc) =	sbr.abs _section_cstart, $3  }
0xc0: {  	[dreg:$0x1] =	wrdreg $0xFFFFFFFF  }
0xc1: {  	_ =	task.clear_ibuf [dreg:s7], $0x2FFFF;
	_ =	strace $0x9FFFFFFF  }
0xc2: {  	(tm) =	ssettm $0x7FFFFFFF  }
0xc3: {  	_ =	shalt  }
tec
execute0_lowered:
.L_overlay_start_1:
0x0: {  	(tag) =	ssettag $0x1  }
0x1: {  	s0 =	rddreg [dreg:$0x0]  }
0x2: {  	s1 =	rddreg [dreg:$0x1]  }
0x3: {  	s3 =	srdreg.scid;
	s9 =	stileid.u32  }
0x4: {  	s2 =	simm.s32 $0x0;
	s10 =	simm.s32 $0x800;
	s25 =	simm.s32 $0x100  }
0x5: {  	s11 =	simm.s32 $0x1800;
	s26 =	simm.s32 $0x180;
	s12 =	simm.s32 $0x2800  }
0x6: {  	s31 =	simm.s32 $0x200;
	s13 =	simm.s32 $0x3800;
	s14 =	simm.s32 $0x4800  }
0x7: {  	s15 =	simm.s32 $0x280;
	s16 =	simm.s32 $0x5800;
	s17 =	simm.s32 $0x300  }
0x8: {  	s18 =	simm.s32 $0x6800;
	s19 =	simm.s32 $0x380;
	s20 =	simm.s32 $0x7800  }
0x9: {  	s21 =	simm.s32 $0x1;
	s28 =	simm.s32 $0x700;
	s29 =	simm.s32 $0x780  }
0xa: {  	s30 =	simm.s32 $0x0;
	s5 =	sand.u32 $0x1, s3;
	s6 =	smul.u32 $0x19000, s9  }
0xb: {  	[smem:$0x7FF] =	sst s2;
	s3 =	sadd.s32 $0x116000, s0;
	s4 =	sadd.s32 $0x2A00, s0  }
0xc: {  	s9 =	smul.u32 $0x64000, s9;
	_ =	strace $0x80000047;
	[dreg:$0x5] =	wrdreg s25  }
0xd: {  	s7 =	smul.u32 $0xC800, s5;
	s22 =	ssub.s32 $0x2, s5;
	[dreg:$0x6] =	wrdreg s26  }
0xe: {  	s5 =	smul.u32 $0x32000, s5;
	[dreg:$0x7] =	wrdreg s31;
	s25 =	simm.s32 $0x600  }
0xf: {  	s26 =	simm.s32 $0x680;
	s8 =	sshrl.u32 s22, $0x1;
	s1 =	sadd.s32 s9, s1  }
0x10: {  	s9 =	simm.s32 $0x80;
	s6 =	sadd.s32 s7, s6;
	s23 =	ssub.s32 s22, s8  }
0x11: {  	s1 =	sadd.s32 s5, s1;
	s7 =	simm.s32 $0x2;
	s6 =	sshrl.u32 s6, $0x3  }
0x12: {  	[dreg:$0x9] =	wrdreg s1;
	s0 =	sadd.s32 s6, s0;
	s6 =	smax.u32 s23, $0x1  }
0x13: {  	s8 =	simm.s32 $0x400;
	[dreg:$0x8] =	wrdreg s6;
	s24 =	sadd.s32 $0x39A00, s0  }
0x14: {  	s22 =	simm.s32 $0x480;
	s0 =	sadd.s32 $0x7A00, s0;
	[dreg:$0x3] =	wrdreg s24  }
0x15: {  	s23 =	simm.s32 $0x500;
	[dreg:$0x4] =	wrdreg s0;
	s24 =	simm.s32 $0x580  }
.LBB2_1:
0x16: {  	s0 =	rddreg [dreg:$0x4]  }
0x17: {  	s0 =	sadd.s32 $0x0, s0  }
0x18: {  	[tilespmem:s2], [sflag:$0x2] =	stream.linear.gather [hbm4b:s0+s2], $0x400, $0x38;
	[tilespmem:$0x8800] =	vst v63  }
0x19: {  	_ =	swait.ge [sflag:s7], $0x400  }
0x1a: {  	s1 =	rddreg [dreg:$0x3];
	[sflag:s7] =	ssyncset.done $0x0  }
0x1b: {  	[sflag:s7] =	ssyncadd.s32 $0xFFFFFC00;
	s0 =	sadd.s32 $0x0, s1  }
0x1c: {  	[tilespmem:s8], [sflag:$0x2] =	stream.linear.gather [hbm4b:s0+s2], $0x400, $0x38;
	[tilespmem:$0x8800] =	vst v63  }
0x1d: {  	_ =	swait.ge [sflag:s7], $0x400  }
0x1e: {  	[sflag:s7] =	ssyncset.done $0x0  }
0x1f: {  	[sflag:s7] =	ssyncadd.s32 $0xFFFFFC00  }
0x20: {  	[tilespmem:s10], [sflag:$0x1] =	stream.indirect.gather [hbm4b:s3+s9], $0x20, s2, s9, $0xb8;
	[tilespmem:$0x8800] =	vst v63  }
0x21: {  	_ = 	snop  }
0x22: {  	[tilespmem:s11], [sflag:$0x1] =	stream.indirect.gather [hbm4b:s3+s9], $0x20, s9, s9, $0xb8;
	[tilespmem:$0x8800] =	vst v63  }
0x23: {  	s5 =	rddreg [dreg:$0x5]  }
0x24: {  	[tilespmem:s12], [sflag:$0x1] =	stream.indirect.gather [hbm4b:s3+s9], $0x20, s5, s9, $0xb8;
	[tilespmem:$0x8800] =	vst v63  }
0x25: {  	s1 =	rddreg [dreg:$0x6]  }
0x26: {  	[tilespmem:s13], [sflag:$0x1] =	stream.indirect.gather [hbm4b:s3+s9], $0x20, s1, s9, $0xb8;
	[tilespmem:$0x8800] =	vst v63  }
0x27: {  	s6 =	rddreg [dreg:$0x7]  }
0x28: {  	[tilespmem:s14], [sflag:$0x1] =	stream.indirect.gather [hbm4b:s3+s9], $0x20, s6, s9, $0xb8;
	[tilespmem:$0x8800] =	vst v63  }
0x29: {  	_ = 	snop  }
0x2a: {  	[tilespmem:s16], [sflag:$0x1] =	stream.indirect.gather [hbm4b:s3+s9], $0x20, s15, s9, $0xb8;
	[tilespmem:$0x8800] =	vst v63  }
0x2b: {  	_ = 	snop  }
0x2c: {  	[tilespmem:s18], [sflag:$0x1] =	stream.indirect.gather [hbm4b:s3+s9], $0x20, s17, s9, $0xb8;
	[tilespmem:$0x8800] =	vst v63  }
0x2d: {  	_ = 	snop  }
0x2e: {  	[tilespmem:s20], [sflag:$0x1] =	stream.indirect.gather [hbm4b:s3+s9], $0x20, s19, s9, $0xb8;
	[tilespmem:$0x8800] =	vst v63  }
0x2f: {  	_ =	swait.ge [sflag:s21], $0x1000  }
0x30: {  	[sflag:s21] =	ssyncset.done $0x0  }
0x31: {  	[sflag:s21] =	ssyncadd.s32 $0xFFFFF000  }
0x32: {  	_ =	swait.ge [sflag:s21], $0x1000  }
0x33: {  	[sflag:s21] =	ssyncset.done $0x0  }
0x34: {  	[sflag:s21] =	ssyncadd.s32 $0xFFFFF000  }
0x35: {  	_ =	swait.ge [sflag:s21], $0x1000  }
0x36: {  	[sflag:s21] =	ssyncset.done $0x0  }
0x37: {  	[sflag:s21] =	ssyncadd.s32 $0xFFFFF000  }
0x38: {  	_ =	swait.ge [sflag:s21], $0x1000  }
0x39: {  	[sflag:s21] =	ssyncset.done $0x0  }
0x3a: {  	[sflag:s21] =	ssyncadd.s32 $0xFFFFF000  }
0x3b: {  	_ =	swait.ge [sflag:s21], $0x1000  }
0x3c: {  	[sflag:s21] =	ssyncset.done $0x0  }
0x3d: {  	[sflag:s21] =	ssyncadd.s32 $0xFFFFF000  }
0x3e: {  	_ =	swait.ge [sflag:s21], $0x1000  }
0x3f: {  	[sflag:s21] =	ssyncset.done $0x0  }
0x40: {  	[sflag:s21] =	ssyncadd.s32 $0xFFFFF000  }
0x41: {  	_ =	swait.ge [sflag:s21], $0x1000  }
0x42: {  	[sflag:s21] =	ssyncset.done $0x0  }
0x43: {  	[sflag:s21] =	ssyncadd.s32 $0xFFFFF000  }
0x44: {  	_ =	swait.ge [sflag:s21], $0x1000  }
0x45: {  	[sflag:s21] =	ssyncset.done $0x0  }
0x46: {  	[sflag:s21] =	ssyncadd.s32 $0xFFFFF000  }
0x47: {  	[tilespmem:s10], [sflag:$0x1] =	stream.indirect.gather.add.f32 [hbm:s4], $0x20, s8, s9, $0xb8;
	[tilespmem:$0x8800] =	vst v63  }
0x48: {  	_ = 	snop  }
0x49: {  	[tilespmem:s11], [sflag:$0x1] =	stream.indirect.gather.add.f32 [hbm:s4], $0x20, s22, s9, $0xb8;
	[tilespmem:$0x8800] =	vst v63  }
0x4a: {  	_ = 	snop  }
0x4b: {  	[tilespmem:s12], [sflag:$0x1] =	stream.indirect.gather.add.f32 [hbm:s4], $0x20, s23, s9, $0xb8;
	[tilespmem:$0x8800] =	vst v63  }
0x4c: {  	_ = 	snop  }
0x4d: {  	[tilespmem:s13], [sflag:$0x1] =	stream.indirect.gather.add.f32 [hbm:s4], $0x20, s24, s9, $0xb8;
	[tilespmem:$0x8800] =	vst v63  }
0x4e: {  	_ = 	snop  }
0x4f: {  	[tilespmem:s14], [sflag:$0x1] =	stream.indirect.gather.add.f32 [hbm:s4], $0x20, s25, s9, $0xb8;
	[tilespmem:$0x8800] =	vst v63  }
0x50: {  	_ = 	snop  }
0x51: {  	[tilespmem:s16], [sflag:$0x1] =	stream.indirect.gather.add.f32 [hbm:s4], $0x20, s26, s9, $0xb8;
	[tilespmem:$0x8800] =	vst v63  }
0x52: {  	_ = 	snop  }
0x53: {  	[tilespmem:s18], [sflag:$0x1] =	stream.indirect.gather.add.f32 [hbm:s4], $0x20, s28, s9, $0xb8;
	[tilespmem:$0x8800] =	vst v63  }
0x54: {  	_ = 	snop  }
0x55: {  	[tilespmem:s20], [sflag:$0x1] =	stream.indirect.gather.add.f32 [hbm:s4], $0x20, s29, s9, $0xb8;
	[tilespmem:$0x8800] =	vst v63  }
0x56: {  	_ =	swait.ge [sflag:s21], $0x1000  }
0x57: {  	[sflag:s21] =	ssyncset.done $0x0  }
0x58: {  	[sflag:s21] =	ssyncadd.s32 $0xFFFFF000  }
0x59: {  	_ =	swait.ge [sflag:s21], $0x1000  }
0x5a: {  	[sflag:s21] =	ssyncset.done $0x0  }
0x5b: {  	[sflag:s21] =	ssyncadd.s32 $0xFFFFF000  }
0x5c: {  	_ =	swait.ge [sflag:s21], $0x1000  }
0x5d: {  	[sflag:s21] =	ssyncset.done $0x0  }
0x5e: {  	[sflag:s21] =	ssyncadd.s32 $0xFFFFF000  }
0x5f: {  	_ =	swait.ge [sflag:s21], $0x1000  }
0x60: {  	[sflag:s21] =	ssyncset.done $0x0  }
0x61: {  	[sflag:s21] =	ssyncadd.s32 $0xFFFFF000  }
0x62: {  	_ =	swait.ge [sflag:s21], $0x1000  }
0x63: {  	[sflag:s21] =	ssyncset.done $0x0  }
0x64: {  	[sflag:s21] =	ssyncadd.s32 $0xFFFFF000  }
0x65: {  	_ =	swait.ge [sflag:s21], $0x1000  }
0x66: {  	[sflag:s21] =	ssyncset.done $0x0  }
0x67: {  	[sflag:s21] =	ssyncadd.s32 $0xFFFFF000  }
0x68: {  	_ =	swait.ge [sflag:s21], $0x1000  }
0x69: {  	[sflag:s21] =	ssyncset.done $0x0  }
0x6a: {  	[sflag:s21] =	ssyncadd.s32 $0xFFFFF000  }
0x6b: {  	_ =	swait.ge [sflag:s21], $0x1000  }
0x6c: {  	[sflag:s21] =	ssyncset.done $0x0  }
0x6d: {  	s31 =	rddreg [dreg:$0x9];
	[sflag:s21] =	ssyncadd.s32 $0xFFFFF000  }
0x6e: {  	[hbm4b:s31+s2] =	stream.linear.scatter [tilespmem:s10], [sflag:$0x2], $0x8000, $0x38;
	[tilespmem:$0x8800] =	vst v63  }
0x6f: {  	s0 =	simm.s32 $0x80;
	_ =	swait.ge [sflag:s7], $0x8000  }
0x70: {  	s1 =	simm.s32 $0x100;
	s5 =	rddreg [dreg:$0x4];
	[sflag:s7] =	ssyncset.done $0x0  }
.LBB2_2:
0x71: {  	[sflag:s7] =	ssyncadd.s32 $0xFFFF8000;
	s5 =	sadd.s32 s0, s5  }
0x72: {  	[tilespmem:s2], [sflag:$0x2] =	stream.linear.gather [hbm4b:s5+s2], $0x400, $0x38;
	[tilespmem:$0x8800] =	vst v63  }
0x73: {  	_ =	swait.ge [sflag:s7], $0x400  }
0x74: {  	s5 =	rddreg [dreg:$0x3];
	[sflag:s7] =	ssyncset.done $0x0  }
0x75: {  	[sflag:s7] =	ssyncadd.s32 $0xFFFFFC00;
	s5 =	sadd.s32 s0, s5  }
0x76: {  	[tilespmem:s8], [sflag:$0x2] =	stream.linear.gather [hbm4b:s5+s2], $0x400, $0x38;
	[tilespmem:$0x8800] =	vst v63  }
0x77: {  	_ =	swait.ge [sflag:s7], $0x400  }
0x78: {  	[sflag:s7] =	ssyncset.done $0x0  }
0x79: {  	[sflag:s7] =	ssyncadd.s32 $0xFFFFFC00  }
0x7a: {  	[tilespmem:s10], [sflag:$0x1] =	stream.indirect.gather [hbm4b:s3+s9], $0x20, s2, s9, $0xb8;
	[tilespmem:$0x8800] =	vst v63  }
0x7b: {  	_ = 	snop  }
0x7c: {  	[tilespmem:s11], [sflag:$0x1] =	stream.indirect.gather [hbm4b:s3+s9], $0x20, s9, s9, $0xb8;
	[tilespmem:$0x8800] =	vst v63  }
0x7d: {  	s6 =	smov.u32 s1;
	s5 =	rddreg [dreg:$0x5]  }
0x7e: {  	[tilespmem:s12], [sflag:$0x1] =	stream.indirect.gather [hbm4b:s3+s9], $0x20, s5, s9, $0xb8;
	[tilespmem:$0x8800] =	vst v63  }
0x7f: {  	s0 =	smov.u32 s6;
	s6 =	rddreg [dreg:$0x6]  }
0x80: {  	[tilespmem:s13], [sflag:$0x1] =	stream.indirect.gather [hbm4b:s3+s9], $0x20, s6, s9, $0xb8;
	[tilespmem:$0x8800] =	vst v63  }
0x81: {  	s5 =	rddreg [dreg:$0x7]  }
0x82: {  	[tilespmem:s14], [sflag:$0x1] =	stream.indirect.gather [hbm4b:s3+s9], $0x20, s5, s9, $0xb8;
	[tilespmem:$0x8800] =	vst v63  }
0x83: {  	_ = 	snop  }
0x84: {  	[tilespmem:s16], [sflag:$0x1] =	stream.indirect.gather [hbm4b:s3+s9], $0x20, s15, s9, $0xb8;
	[tilespmem:$0x8800] =	vst v63  }
0x85: {  	_ = 	snop  }
0x86: {  	[tilespmem:s18], [sflag:$0x1] =	stream.indirect.gather [hbm4b:s3+s9], $0x20, s17, s9, $0xb8;
	[tilespmem:$0x8800] =	vst v63  }
0x87: {  	_ = 	snop  }
0x88: {  	[tilespmem:s20], [sflag:$0x1] =	stream.indirect.gather [hbm4b:s3+s9], $0x20, s19, s9, $0xb8;
	[tilespmem:$0x8800] =	vst v63  }
0x89: {  	_ =	swait.ge [sflag:s21], $0x1000  }
0x8a: {  	[sflag:s21] =	ssyncset.done $0x0  }
0x8b: {  	[sflag:s21] =	ssyncadd.s32 $0xFFFFF000  }
0x8c: {  	_ =	swait.ge [sflag:s21], $0x1000  }
0x8d: {  	[sflag:s21] =	ssyncset.done $0x0  }
0x8e: {  	[sflag:s21] =	ssyncadd.s32 $0xFFFFF000  }
0x8f: {  	_ =	swait.ge [sflag:s21], $0x1000  }
0x90: {  	[sflag:s21] =	ssyncset.done $0x0  }
0x91: {  	[sflag:s21] =	ssyncadd.s32 $0xFFFFF000  }
0x92: {  	_ =	swait.ge [sflag:s21], $0x1000  }
0x93: {  	[sflag:s21] =	ssyncset.done $0x0  }
0x94: {  	[sflag:s21] =	ssyncadd.s32 $0xFFFFF000  }
0x95: {  	_ =	swait.ge [sflag:s21], $0x1000  }
0x96: {  	[sflag:s21] =	ssyncset.done $0x0  }
0x97: {  	[sflag:s21] =	ssyncadd.s32 $0xFFFFF000  }
0x98: {  	_ =	swait.ge [sflag:s21], $0x1000  }
0x99: {  	[sflag:s21] =	ssyncset.done $0x0  }
0x9a: {  	[sflag:s21] =	ssyncadd.s32 $0xFFFFF000  }
0x9b: {  	_ =	swait.ge [sflag:s21], $0x1000  }
0x9c: {  	[sflag:s21] =	ssyncset.done $0x0  }
0x9d: {  	[sflag:s21] =	ssyncadd.s32 $0xFFFFF000  }
0x9e: {  	_ =	swait.ge [sflag:s21], $0x1000  }
0x9f: {  	[sflag:s21] =	ssyncset.done $0x0  }
0xa0: {  	[sflag:s21] =	ssyncadd.s32 $0xFFFFF000  }
0xa1: {  	[tilespmem:s10], [sflag:$0x1] =	stream.indirect.gather.add.f32 [hbm:s4], $0x20, s8, s9, $0xb8;
	[tilespmem:$0x8800] =	vst v63  }
0xa2: {  	_ = 	snop  }
0xa3: {  	[tilespmem:s11], [sflag:$0x1] =	stream.indirect.gather.add.f32 [hbm:s4], $0x20, s22, s9, $0xb8;
	[tilespmem:$0x8800] =	vst v63  }
0xa4: {  	_ = 	snop  }
0xa5: {  	[tilespmem:s12], [sflag:$0x1] =	stream.indirect.gather.add.f32 [hbm:s4], $0x20, s23, s9, $0xb8;
	[tilespmem:$0x8800] =	vst v63  }
0xa6: {  	_ = 	snop  }
0xa7: {  	[tilespmem:s13], [sflag:$0x1] =	stream.indirect.gather.add.f32 [hbm:s4], $0x20, s24, s9, $0xb8;
	[tilespmem:$0x8800] =	vst v63  }
0xa8: {  	_ = 	snop  }
0xa9: {  	[tilespmem:s14], [sflag:$0x1] =	stream.indirect.gather.add.f32 [hbm:s4], $0x20, s25, s9, $0xb8;
	[tilespmem:$0x8800] =	vst v63  }
0xaa: {  	_ = 	snop  }
0xab: {  	[tilespmem:s16], [sflag:$0x1] =	stream.indirect.gather.add.f32 [hbm:s4], $0x20, s26, s9, $0xb8;
	[tilespmem:$0x8800] =	vst v63  }
0xac: {  	_ = 	snop  }
0xad: {  	[tilespmem:s18], [sflag:$0x1] =	stream.indirect.gather.add.f32 [hbm:s4], $0x20, s28, s9, $0xb8;
	[tilespmem:$0x8800] =	vst v63  }
0xae: {  	_ = 	snop  }
0xaf: {  	[tilespmem:s20], [sflag:$0x1] =	stream.indirect.gather.add.f32 [hbm:s4], $0x20, s29, s9, $0xb8;
	[tilespmem:$0x8800] =	vst v63  }
0xb0: {  	_ =	swait.ge [sflag:s21], $0x1000  }
0xb1: {  	[sflag:s21] =	ssyncset.done $0x0  }
0xb2: {  	[sflag:s21] =	ssyncadd.s32 $0xFFFFF000  }
0xb3: {  	_ =	swait.ge [sflag:s21], $0x1000  }
0xb4: {  	[sflag:s21] =	ssyncset.done $0x0  }
0xb5: {  	[sflag:s21] =	ssyncadd.s32 $0xFFFFF000  }
0xb6: {  	_ =	swait.ge [sflag:s21], $0x1000  }
0xb7: {  	[sflag:s21] =	ssyncset.done $0x0  }
0xb8: {  	[sflag:s21] =	ssyncadd.s32 $0xFFFFF000  }
0xb9: {  	_ =	swait.ge [sflag:s21], $0x1000  }
0xba: {  	[sflag:s21] =	ssyncset.done $0x0  }
0xbb: {  	[sflag:s21] =	ssyncadd.s32 $0xFFFFF000  }
0xbc: {  	_ =	swait.ge [sflag:s21], $0x1000  }
0xbd: {  	[sflag:s21] =	ssyncset.done $0x0  }
0xbe: {  	[sflag:s21] =	ssyncadd.s32 $0xFFFFF000  }
0xbf: {  	_ =	swait.ge [sflag:s21], $0x1000  }
0xc0: {  	[sflag:s21] =	ssyncset.done $0x0  }
0xc1: {  	[sflag:s21] =	ssyncadd.s32 $0xFFFFF000  }
0xc2: {  	_ =	swait.ge [sflag:s21], $0x1000  }
0xc3: {  	[sflag:s21] =	ssyncset.done $0x0  }
0xc4: {  	[sflag:s21] =	ssyncadd.s32 $0xFFFFF000  }
0xc5: {  	p0 =	sne.s32 s1, $0x1880;
	_ =	swait.ge [sflag:s21], $0x1000  }
.Ltmp0:
0xc6: {  	[sflag:s21] =	ssyncset.done $0x0;
	(pc) =	sbr.rel @p0 .LBB2_2-.Ltmp0, $4  }
0xc7: {  	s31 =	sadd.s32 $0x1000, s31;
	[sflag:s21] =	ssyncadd.s32 $0xFFFFF000  }
0xc8: {  	[hbm4b:s31+s2] =	stream.linear.scatter [tilespmem:s10], [sflag:$0x2], $0x8000, $0x38;
	[tilespmem:$0x8800] =	vst v63  }
0xc9: {  	_ =	swait.ge [sflag:s7], $0x8000  }
0xca: {  	s1 =	sadd.s32 $0x80, s1;
	s5 =	rddreg [dreg:$0x4];
	[sflag:s7] =	ssyncset.done $0x0  }
0xcb: {  	[sflag:s7] =	ssyncadd.s32 $0xFFFF8000;
	s1 =	sadd.s32 s0, s5  }
0xcc: {  	[tilespmem:s2], [sflag:$0x2] =	stream.linear.gather [hbm4b:s1+s2], $0x400, $0x38;
	[tilespmem:$0x8800] =	vst v63  }
0xcd: {  	_ =	swait.ge [sflag:s7], $0x400  }
0xce: {  	s6 =	rddreg [dreg:$0x3];
	[sflag:s7] =	ssyncset.done $0x0  }
0xcf: {  	[sflag:s7] =	ssyncadd.s32 $0xFFFFFC00;
	s1 =	sadd.s32 s0, s6  }
0xd0: {  	[tilespmem:s8], [sflag:$0x2] =	stream.linear.gather [hbm4b:s1+s2], $0x400, $0x38;
	[tilespmem:$0x8800] =	vst v63  }
0xd1: {  	_ =	swait.ge [sflag:s7], $0x400  }
0xd2: {  	[sflag:s7] =	ssyncset.done $0x0  }
0xd3: {  	[sflag:s7] =	ssyncadd.s32 $0xFFFFFC00  }
0xd4: {  	[tilespmem:s10], [sflag:$0x1] =	stream.indirect.gather [hbm4b:s3+s9], $0x20, s2, s9, $0xb8;
	[tilespmem:$0x8800] =	vst v63  }
0xd5: {  	_ = 	snop  }
0xd6: {  	[tilespmem:s11], [sflag:$0x1] =	stream.indirect.gather [hbm4b:s3+s9], $0x20, s9, s9, $0xb8;
	[tilespmem:$0x8800] =	vst v63  }
0xd7: {  	s5 =	rddreg [dreg:$0x5]  }
0xd8: {  	[tilespmem:s12], [sflag:$0x1] =	stream.indirect.gather [hbm4b:s3+s9], $0x20, s5, s9, $0xb8;
	[tilespmem:$0x8800] =	vst v63  }
0xd9: {  	s6 =	rddreg [dreg:$0x6]  }
0xda: {  	[tilespmem:s13], [sflag:$0x1] =	stream.indirect.gather [hbm4b:s3+s9], $0x20, s6, s9, $0xb8;
	[tilespmem:$0x8800] =	vst v63  }
0xdb: {  	s5 =	rddreg [dreg:$0x7]  }
0xdc: {  	[tilespmem:s14], [sflag:$0x1] =	stream.indirect.gather [hbm4b:s3+s9], $0x20, s5, s9, $0xb8;
	[tilespmem:$0x8800] =	vst v63  }
0xdd: {  	_ = 	snop  }
0xde: {  	[tilespmem:s16], [sflag:$0x1] =	stream.indirect.gather [hbm4b:s3+s9], $0x20, s15, s9, $0xb8;
	[tilespmem:$0x8800] =	vst v63  }
0xdf: {  	_ = 	snop  }
0xe0: {  	[tilespmem:s18], [sflag:$0x1] =	stream.indirect.gather [hbm4b:s3+s9], $0x20, s17, s9, $0xb8;
	[tilespmem:$0x8800] =	vst v63  }
0xe1: {  	_ = 	snop  }
0xe2: {  	[tilespmem:s20], [sflag:$0x1] =	stream.indirect.gather [hbm4b:s3+s9], $0x20, s19, s9, $0xb8;
	[tilespmem:$0x8800] =	vst v63  }
0xe3: {  	_ =	swait.ge [sflag:s21], $0x1000  }
0xe4: {  	[sflag:s21] =	ssyncset.done $0x0  }
0xe5: {  	[sflag:s21] =	ssyncadd.s32 $0xFFFFF000  }
0xe6: {  	_ =	swait.ge [sflag:s21], $0x1000  }
0xe7: {  	[sflag:s21] =	ssyncset.done $0x0  }
0xe8: {  	[sflag:s21] =	ssyncadd.s32 $0xFFFFF000  }
0xe9: {  	_ =	swait.ge [sflag:s21], $0x1000  }
0xea: {  	[sflag:s21] =	ssyncset.done $0x0  }
0xeb: {  	[sflag:s21] =	ssyncadd.s32 $0xFFFFF000  }
0xec: {  	_ =	swait.ge [sflag:s21], $0x1000  }
0xed: {  	[sflag:s21] =	ssyncset.done $0x0  }
0xee: {  	[sflag:s21] =	ssyncadd.s32 $0xFFFFF000  }
0xef: {  	_ =	swait.ge [sflag:s21], $0x1000  }
0xf0: {  	[sflag:s21] =	ssyncset.done $0x0  }
0xf1: {  	[sflag:s21] =	ssyncadd.s32 $0xFFFFF000  }
0xf2: {  	_ =	swait.ge [sflag:s21], $0x1000  }
0xf3: {  	[sflag:s21] =	ssyncset.done $0x0  }
0xf4: {  	[sflag:s21] =	ssyncadd.s32 $0xFFFFF000  }
0xf5: {  	_ =	swait.ge [sflag:s21], $0x1000  }
0xf6: {  	[sflag:s21] =	ssyncset.done $0x0  }
0xf7: {  	[sflag:s21] =	ssyncadd.s32 $0xFFFFF000  }
0xf8: {  	_ =	swait.ge [sflag:s21], $0x1000  }
0xf9: {  	[sflag:s21] =	ssyncset.done $0x0  }
0xfa: {  	[sflag:s21] =	ssyncadd.s32 $0xFFFFF000  }
0xfb: {  	[tilespmem:s10], [sflag:$0x1] =	stream.indirect.gather.add.f32 [hbm:s4], $0x20, s8, s9, $0xb8;
	[tilespmem:$0x8800] =	vst v63  }
0xfc: {  	_ = 	snop  }
0xfd: {  	[tilespmem:s11], [sflag:$0x1] =	stream.indirect.gather.add.f32 [hbm:s4], $0x20, s22, s9, $0xb8;
	[tilespmem:$0x8800] =	vst v63  }
0xfe: {  	_ = 	snop  }
0xff: {  	[tilespmem:s12], [sflag:$0x1] =	stream.indirect.gather.add.f32 [hbm:s4], $0x20, s23, s9, $0xb8;
	[tilespmem:$0x8800] =	vst v63  }
0x100: {  	_ = 	snop  }
0x101: {  	[tilespmem:s13], [sflag:$0x1] =	stream.indirect.gather.add.f32 [hbm:s4], $0x20, s24, s9, $0xb8;
	[tilespmem:$0x8800] =	vst v63  }
0x102: {  	_ = 	snop  }
0x103: {  	[tilespmem:s14], [sflag:$0x1] =	stream.indirect.gather.add.f32 [hbm:s4], $0x20, s25, s9, $0xb8;
	[tilespmem:$0x8800] =	vst v63  }
0x104: {  	_ = 	snop  }
0x105: {  	[tilespmem:s16], [sflag:$0x1] =	stream.indirect.gather.add.f32 [hbm:s4], $0x20, s26, s9, $0xb8;
	[tilespmem:$0x8800] =	vst v63  }
0x106: {  	_ = 	snop  }
0x107: {  	[tilespmem:s18], [sflag:$0x1] =	stream.indirect.gather.add.f32 [hbm:s4], $0x20, s28, s9, $0xb8;
	[tilespmem:$0x8800] =	vst v63  }
0x108: {  	_ = 	snop  }
0x109: {  	[tilespmem:s20], [sflag:$0x1] =	stream.indirect.gather.add.f32 [hbm:s4], $0x20, s29, s9, $0xb8;
	[tilespmem:$0x8800] =	vst v63  }
0x10a: {  	_ =	swait.ge [sflag:s21], $0x1000  }
0x10b: {  	[sflag:s21] =	ssyncset.done $0x0  }
0x10c: {  	[sflag:s21] =	ssyncadd.s32 $0xFFFFF000  }
0x10d: {  	_ =	swait.ge [sflag:s21], $0x1000  }
0x10e: {  	[sflag:s21] =	ssyncset.done $0x0  }
0x10f: {  	[sflag:s21] =	ssyncadd.s32 $0xFFFFF000  }
0x110: {  	_ =	swait.ge [sflag:s21], $0x1000  }
0x111: {  	[sflag:s21] =	ssyncset.done $0x0  }
0x112: {  	[sflag:s21] =	ssyncadd.s32 $0xFFFFF000  }
0x113: {  	_ =	swait.ge [sflag:s21], $0x1000  }
0x114: {  	[sflag:s21] =	ssyncset.done $0x0  }
0x115: {  	[sflag:s21] =	ssyncadd.s32 $0xFFFFF000  }
0x116: {  	_ =	swait.ge [sflag:s21], $0x1000  }
0x117: {  	[sflag:s21] =	ssyncset.done $0x0  }
0x118: {  	[sflag:s21] =	ssyncadd.s32 $0xFFFFF000  }
0x119: {  	_ =	swait.ge [sflag:s21], $0x1000  }
0x11a: {  	[sflag:s21] =	ssyncset.done $0x0  }
0x11b: {  	[sflag:s21] =	ssyncadd.s32 $0xFFFFF000  }
0x11c: {  	_ =	swait.ge [sflag:s21], $0x1000  }
0x11d: {  	[sflag:s21] =	ssyncset.done $0x0  }
0x11e: {  	[sflag:s21] =	ssyncadd.s32 $0xFFFFF000  }
0x11f: {  	_ =	swait.ge [sflag:s21], $0x1000  }
0x120: {  	[sflag:s21] =	ssyncset.done $0x0  }
0x121: {  	s6 =	sadd.s32 $0x1000, s31;
	[sflag:s21] =	ssyncadd.s32 $0xFFFFF000  }
0x122: {  	[hbm4b:s6+s2] =	stream.linear.scatter [tilespmem:s10], [sflag:$0x2], $0x8000, $0x38;
	[tilespmem:$0x8800] =	vst v63  }
0x123: {  	_ =	swait.ge [sflag:s7], $0x8000  }
0x124: {  	s30 =	sadd.s32 $0x1, s30;
	s31 =	rddreg [dreg:$0x8]  }
0x125: {  	p0 =	sne.s32 s30, s31  }
.Ltmp1:
0x126: {  	_ = 	snop;
	(pc) =	sbr.rel @p0 .LBB2_1-.Ltmp1, $3  }
0x127: {  	_ =	sdelay $0x1  }
0x128: {  	[sflag:s7] =	ssyncset.done $0x0  }
0x129: {  	[sflag:s7] =	ssyncadd.s32 $0xFFFF8000  }
0x12a: {  	_ =	sfence.sel $0x180000  }
0x12b: {  	[bflag:$0x0] =	sbarrier.arrive $0xFFFF  }
0x12c: {  	_ =	strace $0x90000047  }
0x12d: {  	s0 =	stileid.u32;
	[bflag:$0x2] =	sbarrier.arrive $0xFFFF  }
0x12e: {  	p0 =	sne.s32 s0, $0x0;
	s0 =	rddreg [dreg:$0x2]  }
0x12f: {  	s0 =	sadd.s32 @!p0 $0x100000, s0  }
0x130: {  	[sflag:s0] =	ssyncadd.tile.s32 @!p0 $0x1;
	_ =	shalt  }
.Lfunc_end2:
_tile_overlayer_lowered:
.L_overlay_start_2:
0x131: {  	(tag) =	ssettag $0x2  }
0x132: {  	s0 =	rddreg [dreg:$0x0];
	s2 =	stileid.u32  }
0x133: {  	s1 =	rddreg [dreg:$0x1];
	p0 =	sne.s32 s2, $0x0  }
0x134: {  	s3 =	rddreg [dreg:$0x2];
	[bflag:$0x3] =	sbarrier.arrive $0xFFFF;
	s2 =	simm.s32 @!p0 $0x1C02  }
0x135: {  	[timem:s3], [sflag:s2] =	dma.local @!p0 [hbm:s0], s1  }
0x136: {  	s0 =	simm.s32 @!p0 $0x2  }
0x137: {  	_ =	swait.ge @!p0 [sflag:s0], s1  }
0x138: {  	s1 =	ssub.s32 @!p0 $0x0, s1;
	[sflag:s0] =	ssyncset.done @!p0 $0x0  }
0x139: {  	[sflag:s0] =	ssyncadd.s32 @!p0 s1  }
0x13a: {  	[bflag:$0x3] =	sbarrier.arrive $0xFFFF  }
0x13b: {  	_ =	shalt  }

// kernel: sparse-core-data-format-call.cloned.1.call-start
scs
called_computation_lowered:
.L_overlay_start_0:
0x0: {  	s2 =	sld [smem:$0x3FD9]  }
0x1: {  	s3 =	sld [smem:$0x3FFE];
	_ =	sdelay $0x1  }
0x2: {  	s1 =	srdreg.scid  }
0x3: {  	s0 =	sand.u32 $0x1, s1  }
0x4: {  	s18 =	sshll.u32 s0, $0xA;
	s2 =	sadd.s32 s3, s2  }
0x5: {  	s2 =	sadd.s32 s2, s18  }
0x6: {  	[smem:$0x3FC4] =	sst s2  }
0x7: {  	_ = 	snop  }
0x8: {  	s2 =	sld [smem:$0x3FD0];
	(tm) =	ssettm $0x1  }
0x9: {  	s19 =	sld [smem:$0x3FFB];
	_ =	sdelay $0x3  }
0xa: {  	_ =	strace s19  }
0xb: {  	s3 =	sld [smem:$0x3FFC];
	_ =	sdelay $0x3  }
0xc: {  	_ =	strace s3  }
0xd: {  	s3 =	sld [smem:$0x3FFD];
	_ =	sdelay $0x3  }
0xe: {  	_ =	strace s3  }
0xf: {  	_ =	strace $0x8FFFFFFF  }
0x10: {  	s20 =	sld [smem:$0x3FDB];
	_ =	sdelay $0x1  }
0x11: {  	s4 =	simm.s32 $_scs_section_size  }
0x12: {  	s5 =	simm.s32 $_size__tile_overlayer_lowered;
	s6 =	simm.s32 $_tile_overlayer_lowered  }
0x13: {  	s23 =	simm.s32 $0x1BFF;
	s22 =	sshll.u32 s6, $0x1;
	s3 =	sadd.s32 s4, s20  }
0x14: {  	s7 =	simm.s32 $0x0;
	s21 =	sshll.u32 s5, $0x1;
	s5 =	sadd.s32 s22, s3  }
0x15: {  	[timem:s7], [sflag:s23] =	dma.local [hbm:s5], s21  }
0x16: {  	_ =	swait.ge [sflag:s23], s21  }
0x17: {  	s4 =	ssub.s32 $0x0, s21;
	[sflag:s23] =	ssyncset.done $0x0  }
0x18: {  	[sflag:s23] =	ssyncadd.s32 s4;
	_ =	sdelay $0x1  }
0x19: {  	s24 =	simm.s32 $0x1B8B  }
0x1a: {  	_ =	swait.ge [sflag:s24], $0x1  }
0x1b: {  	[sflag:s24] =	ssyncset.done $0x0  }
0x1c: {  	s26 =	simm.s32 $0x1B8E;
	s25 =	sld [smem:$0x3FFE];
	[sflag:s24] =	ssyncadd.s32 $0xFFFFFFFF  }
0x1d: {  	s27 =	simm.s32 $execute0_lowered;
	[smem:$0x3FD2] =	sst s26  }
0x1e: {  	s5 =	sshll.u32 s27, $0x1;
	_ =	strace $0x80000049;
	[dreg:$0x1] =	wrdreg $0xFFFFFFFF  }
0x1f: {  	s28 =	simm.s32 $_size_execute0_lowered;
	s3 =	sadd.s32 s3, s5;
	[dreg:$0x0] =	wrdreg $0x0  }
0x20: {  	s5 =	sshll.u32 s28, $0x1;
	[dreg:$0x2] =	wrdreg s3  }
0x21: {  	[dreg:$0x3] =	wrdreg s5  }
0x22: {  	[dreg:$0x4] =	wrdreg $0xC0  }
0x23: {  	_ =	task [dreg:s7], $0x5FFFF  }
0x24: {  	[dreg:$0x1] =	wrdreg $0xFFFFFFFF  }
0x25: {  	[dreg:$0x0] =	wrdreg $0x60  }
0x26: {  	[dreg:$0x2] =	wrdreg s25  }
0x27: {  	[dreg:$0x3] =	wrdreg s2  }
0x28: {  	[dreg:$0x4] =	wrdreg $0x9  }
0x29: {  	_ =	task.clear_ibuf [dreg:s7], $0x5FFFF;
	_ =	strace $0x90000049  }
0x2a: {  	s29 =	simm.s32 $0x9;
	_ =	strace $0x8000004B  }
0x2b: {  	_ =	swait.ge [sflag:s29], $0x1  }
0x2c: {  	[sflag:s29] =	ssyncadd.s32 $0xFFFFFFFF  }
0x2d: {  	_ =	strace $0x9000004B  }
0x2e: {  	_ =	sfence  }
0x2f: {  	s30 =	sld [smem:$0x0];
	_ =	sdelay $0x2  }
0x30: {  	s31 =	sshll.u32 s1, $0xD;
	s1 =	sshrl.u32 s1, $0x2  }
0x31: {  	s3 =	sand.u32 $0x4000, s31;
	s1 =	sadd.s32 s1, s30  }
0x32: {  	s0 =	sor.u32 s3, s0;
	s1 =	sshll.u32 s1, $0x11  }
0x33: {  	s0 =	sor.u32 s1, s0  }
0x34: {  	s0 =	sadd.s32 $0x8F2B, s0  }
0x35: {  	[sflag:s0] =	ssyncadd.remote.s32 $0x1  }
0x36: {  	_ =	sfence.sel $0xFFFF  }
0x37: {  	[dreg:$0x0] =	wrdreg $0xFFFFFFFF;
	(pc) =	sbr.abs _section_cstart, $3  }
0x38: {  	[dreg:$0x1] =	wrdreg $0xFFFFFFFF  }
0x39: {  	_ =	task.clear_ibuf [dreg:s7], $0x2FFFF;
	_ =	strace $0x9FFFFFFF  }
0x3a: {  	(tm) =	ssettm $0x7FFFFFFF  }
0x3b: {  	_ =	shalt  }
tec
execute0_lowered:
.L_overlay_start_1:
0x0: {  	(tag) =	ssettag $0x1  }
0x1: {  	s0 =	srdreg.scid  }
0x2: {  	s1 =	sshll.u32 s0, $0x4  }
0x3: {  	s0 =	stileid.u32;
	s1 =	sand.u32 $0x10, s1  }
0x4: {  	s1 =	sor.u32 s0, s1  }
0x5: {  	s6 =	rddreg [dreg:$0x0];
	s4 =	simm.s32 $0x1;
	s2 =	sshll.u32 s1, $0x7  }
0x6: {  	s7 =	simm.s32 $0x2;
	s12 =	simm.s32 $0x0;
	s1 =	ssub.s32 $0x1000, s2  }
0x7: {  	s8 =	simm.s32 $0x8000;
	s13 =	simm.s32 $0x0;
	s3 =	sand.u32 $0xF80, s1  }
0x8: {  	s9 =	simm.s32 $0x0;
	s5 =	sshrl.u32 s1, $0xC;
	p0 =	sne.s32 s3, $0x0  }
.Ltmp0:
0x9: {  	s1 =	rddreg [dreg:$0x2];
	s4 =	simm.s32 @!p0 $0x0;
	(pc) =	sbr.rel .LBB1_1-.Ltmp0, $4  }
0xa: {  	s11 =	simm.s32 $0x0;
	s3 =	rddreg [dreg:$0x1];
	s5 =	sadd.s32 s4, s5  }
0xb: {  	_ =	strace $0x8000004A;
	s4 =	simm.s32 $0x1;
	s5 =	smul.u32 $0xC8, s5  }
0xc: {  	s6 =	sadd.s32 $0x2A00, s6;
	s10 =	smov.u32 s2;
	[sflag:s4] =	ssyncpa.u1 $0x0  }
0xd: {  	p0 =	por $0x0, $0x0;
	[sflag:s7] =	ssyncpa.u1 $0x0;
	s7 =	sor.u32 $0x1, s5  }
.LBB1_4:
0xe: {  	s16 =	sshll.u32 s13, $0x3;
	s17 =	sand.u32 $0x78, s13  }
0xf: {  	s30 =	sand.u32 $0x7E00, s13;
	s12 =	sshll.u32 s12, $0xF;
	s16 =	sand.u32 $0xC00, s16  }
0x10: {  	[tilespmem:s15+$0x810 ss:$0x81] =	vst.msk $0xffff, v2;
	s31 =	sand.u32 $0x7, s13;
	s16 =	sor.u32 s17, s16;
	s17 =	sadd.s32 s3, s30  }
0x11: {  	[tilespmem:s15+$0x1020 ss:$0x81] =	vst.msk $0xffff, v0;
	s13 =	sshll.u32 s31, $0x12;
	s12 =	sadd.s32 s12, s17;
	s16 =	sshrl.u32 s16, $0x3  }
0x12: {  	[tilespmem:s15+$0x0 ss:$0x81] =	vst.msk $0xffff, v1;
	s13 =	sor.u32 $0x400, s13;
	s12 =	sadd.s32 s16, s12  }
0x13: {  	[hbm4b:s12+s13] =	stream.strided.scatter [tilespmem:s14], [sflag:$0x2], $0x2000, s8, s13, $0x20;
	[tilespmem:$0x8080] =	vst v63  }
.LBB1_5:
0x14: {  	s14 =	sadd.s32 $0x1, s9  }
0x15: {  	s12 =	sadd.s32 $0x1000, s10;
	s16 =	smov.u32 s10;
	p2 =	sgt.s32 s14, $0xC7  }
0x16: {  	s16 =	smov.u32 @p2 s12  }
0x17: {  	s14 =	simm.s32 @p2 $0x0;
	p2 =	sgt.s32 s16, $0xFFF  }
0x18: {  	s16 =	smov.u32 @p2 s2;
	p2 =	sne.s32 s11, s7  }
.Ltmp1:
0x19: {  	p1 =	slt.u32 s11, $0x2;
	(pc) =	sbr.rel @!p2 .LBB1_6-.Ltmp1, $4  }
0x1a: {  	s15 =	simm.s32 @!p1 $0x2  }
0x1b: {  	s13 =	smov.u32 s10;
	p0 =	por !p0, !p0;
	_ =	swait.ge @!p1 [sflag:s15], $0x2000  }
0x1c: {  	s12 =	smov.u32 s9;
	[sflag:s15] =	ssyncset.done @!p1 $0x0;
	s9 =	smov.u32 s14  }
0x1d: {  	s11 =	sadd.s32 $0x1, s11;
	[sflag:s15] =	ssyncadd.s32 @!p1 $0xFFFFE000;
	s10 =	smov.u32 s16  }
.LBB1_1:
0x1e: {  	p1 =	sge.u32 s11, s5  }
0x1f: {  	s14 =	sand.u32 @!p1 $0x1FFFFFF, s9  }
0x20: {  	s15 =	smulhi.u32 @!p1 $0x147AE15, s14;
	_ =	sdelay $0x1  }
0x21: {  	s15 =	smul.u32 @!p1 $0xC8, s15  }
0x22: {  	s16 =	sxor.u32 @!p1 $0xFFFFFFFF, s11;
	s17 =	smul.u32 @!p1 $0xC80, s10  }
0x23: {  	s31 =	sadd.s32 $0xFFFFFFFF, s11;
	s16 =	sshll.u32 @!p1 s16, $0xD;
	s14 =	ssub.s32 @!p1 s14, s15  }
0x24: {  	s15 =	sand.u32 @!p1 $0x2000, s16;
	s16 =	sadd.s32 @!p1 s6, s17;
	s14 =	sshll.u32 @!p1 s14, $0x4  }
0x25: {  	s17 =	simm.s32 @!p1 $0x6400;
	s14 =	sadd.s32 @!p1 s14, s16;
	s16 =	simm.s32 @!p1 $0x40  }
0x26: {  	[tilespmem:s15], [sflag:$0x1] =	stream.strided.gather @!p1 [hbm4b:s14+s16], $0x2000, s17, s16, $0x38;
	[tilespmem:$0x8080] =	vst v63  }
0x27: {  	p1 =	sge.u32 s31, s5  }
.Ltmp2:
0x28: {  	_ = 	snop;
	(pc) =	sbr.rel @p1 .LBB1_5-.Ltmp2, $1  }
0x29: {  	_ =	sdelay $0x3  }
0x2a: {  	s14 =	simm.s32 $0x1  }
0x2b: {  	_ =	swait.ge [sflag:s4], $0x2000;
	s14 =	simm.s32 @!p0 $0x0  }
0x2c: {  	[sflag:s4] =	ssyncset.done $0x0;
	s15 =	sshll.u32 s14, $0xD  }
0x2d: {  	[sflag:s4] =	ssyncadd.s32 $0xFFFFE000;
	s18 =	sor.u32 $0x20, s15  }
0x2e: {  	s14 =	smul.u32 $0x8100, s14;
	v3 =	vld [tilespmem:s18+$0x10]  }
0x2f: {  	s30 =	sand.u32 $0x1, s11;
	v2 =	vld [tilespmem:s18+$0xFFFFFFF0]  }
0x30: {  	s15 =	smul.u32 $0x8100, s30;
	s14 =	sshrl.u32 s14, $0x2;
	v0 =	vld [tilespmem:s18+$0x0]  }
0x31: {  	v1 =	vld [tilespmem:s18+$0xFFFFFFE0];
	s16 =	sor.u32 $0x4000, s14  }
0x32: {  	s31 =	sshrl.u32 s15, $0x2;
	s15 =	sadd.s32 $0x0, s16  }
0x33: {  	s17 =	simm.s32 $0x4;
	s18 =	sadd.s32 $0x40, s18;
	s14 =	sor.u32 $0x4000, s31;
	[tilespmem:s15+$0x1830 ss:$0x81] =	vst.msk $0xffff, v3  }
.LBB1_3:
0x34: {  	v3 =	vld [tilespmem:s18+$0x10];
	p1 =	sne.s32 s17, $0x1FC;
	[tilespmem:s15+$0x810 ss:$0x81] =	vst.msk $0xffff, v2;
	s19 =	smov.u32 s17;
	s17 =	sadd.s32 $0x4, s17  }
.Ltmp3:
0x35: {  	v2 =	vld [tilespmem:s18+$0xFFFFFFF0];
	[tilespmem:s15+$0x1020 ss:$0x81] =	vst.msk $0xffff, v0;
	(pc) =	sbr.rel @p1 .LBB1_3-.Ltmp3, $4  }
0x36: {  	v0 =	vld [tilespmem:s18+$0x0];
	[tilespmem:s15+$0x0 ss:$0x81] =	vst.msk $0xffff, v1  }
0x37: {  	s15 =	sshra.s32 s19, $0x2;
	v1 =	vld [tilespmem:s18+$0xFFFFFFE0]  }
0x38: {  	s15 =	sadd.s32 s15, s16  }
0x39: {  	s18 =	sadd.s32 $0x40, s18;
	[tilespmem:s15+$0x1830 ss:$0x81] =	vst.msk $0xffff, v3  }
.Ltmp4:
0x3a: {  	_ = 	snop;
	(pc) =	sbr.rel .LBB1_4-.Ltmp4, $1  }
0x3b: {  	_ =	sdelay $0x3  }
.LBB1_6:
0x3c: {  	_ =	sfence.sel $0x180000  }
0x3d: {  	s2 =	simm.s32 $0x1;
	[bflag:$0x0] =	sbarrier.arrive $0xFFFF  }
0x3e: {  	s31 =	simm.s32 $0x2;
	[sflag:s2] =	ssyncpa.u1 $0x1  }
0x3f: {  	[sflag:s31] =	ssyncpa.u1 $0x1  }
0x40: {  	p0 =	sne.s32 s0, $0x0;
	_ =	strace $0x9000004A  }
0x41: {  	s0 =	sadd.s32 @!p0 $0x100000, s1;
	[bflag:$0x2] =	sbarrier.arrive $0xFFFF  }
0x42: {  	[sflag:s0] =	ssyncadd.tile.s32 @!p0 $0x1;
	_ =	shalt  }
.Lfunc_end1:
_tile_overlayer_lowered:
.L_overlay_start_2:
0x43: {  	(tag) =	ssettag $0x2  }
0x44: {  	s0 =	rddreg [dreg:$0x0];
	s2 =	stileid.u32  }
0x45: {  	s1 =	rddreg [dreg:$0x1];
	p0 =	sne.s32 s2, $0x0  }
0x46: {  	s3 =	rddreg [dreg:$0x2];
	[bflag:$0x3] =	sbarrier.arrive $0xFFFF;
	s2 =	simm.s32 @!p0 $0x1C01  }
0x47: {  	[timem:s3], [sflag:s2] =	dma.local @!p0 [hbm:s0], s1  }
0x48: {  	s0 =	simm.s32 @!p0 $0x1  }
0x49: {  	_ =	swait.ge @!p0 [sflag:s0], s1  }
0x4a: {  	s1 =	ssub.s32 @!p0 $0x0, s1;
	[sflag:s0] =	ssyncset.done @!p0 $0x0  }
0x4b: {  	[sflag:s0] =	ssyncadd.s32 @!p0 s1  }
0x4c: {  	[bflag:$0x3] =	sbarrier.arrive $0xFFFF  }
0x4d: {  	_ =	shalt  }

</sc_bundles>
